<compile_context>
chip_gen: v7x
topology: tpu7x:2x2x1
jax: 0.10.2.dev20260603
libtpu: 0.0.44.dev20260713+nightly
codegen_flags: <defaults>
</compile_context>

<pallas_src>
import functools

import jax
import jax.numpy as jnp
from jax import lax
from jax.experimental import pallas as pl
from jax.experimental.pallas import tpu as pltpu
from jax.experimental.pallas import tpu_sc as plsc

_BATCH = 4096
_EMB = 16
_NU = 2
_NI = 10
_LAYER = 256
_XDIM = 15448
_TOT = _NU * _EMB + _NI * _EMB + _XDIM

_NC = 2
_NS = 16
_NW = _NC * _NS

_CHUNK = 128

_UB = _BATCH * _NU
_IB = _BATCH * _NI
_U_PER = _UB // _NW
_I_PER = _IB // _NW
_UC = _U_PER // _CHUNK
_IC = _I_PER // _CHUNK


_NB = _BATCH // _NW
_QU = _NU * _EMB
_QI = _NI * _EMB
_Q = _QU + _QI
_NCHUNK = _Q // _EMB


def _sc_gather_body(u_idx, i_idx, u_tab, i_tab, u_out, i_out,
                    uidx_v, urows_v, iidx_v, irows_v, sem):
    wid = lax.axis_index("s") * _NC + lax.axis_index("c")
    pltpu.sync_copy(u_idx.at[pl.ds(wid * _U_PER, _U_PER)], uidx_v)
    pltpu.sync_copy(i_idx.at[pl.ds(wid * _I_PER, _I_PER)], iidx_v)
    cps = []
    for j in range(_UC):
        cps.append(pltpu.async_copy(
            u_tab.at[uidx_v.at[pl.ds(j * _CHUNK, _CHUNK)]],
            urows_v.at[pl.ds(j * _CHUNK, _CHUNK)], sem))
    for j in range(_IC):
        cps.append(pltpu.async_copy(
            i_tab.at[iidx_v.at[pl.ds(j * _CHUNK, _CHUNK)]],
            irows_v.at[pl.ds(j * _CHUNK, _CHUNK)], sem))
    for cp in cps:
        cp.wait()
    pltpu.sync_copy(urows_v, u_out.at[pl.ds(wid * _U_PER, _U_PER)])
    pltpu.sync_copy(irows_v, i_out.at[pl.ds(wid * _I_PER, _I_PER)])


@functools.lru_cache(maxsize=1)
def _sc_gather():
    return pl.kernel(
        _sc_gather_body,
        mesh=plsc.VectorSubcoreMesh(core_axis_name="c", subcore_axis_name="s"),
        out_type=[
            jax.ShapeDtypeStruct((_UB, _EMB), jnp.float32),
            jax.ShapeDtypeStruct((_IB, _EMB), jnp.float32),
        ],
        scratch_types=[
            pltpu.VMEM((_U_PER,), jnp.int32),
            pltpu.VMEM((_U_PER, _EMB), jnp.float32),
            pltpu.VMEM((_I_PER,), jnp.int32),
            pltpu.VMEM((_I_PER, _EMB), jnp.float32),
            pltpu.SemaphoreType.DMA,
        ],
        compiler_params=pltpu.CompilerParams(use_tc_tiling_on_sc=False),
    )


_TK = 1024
_KT = 16
_KLAST = _XDIM - (_KT - 1) * _TK


def _fused_body(xt_ref, w1x_ref, ue_ref, ie_ref, w1e_ref, g1_ref, be1_ref,
                w2_ref, g2_ref, be2_ref, w3_ref, b3_ref, out_ref, h1_ref):
    k = pl.program_id(0)

    def _acc(p):
        @pl.when(k == 0)
        def _():
            h1_ref[...] = p

        @pl.when(k != 0)
        def _():
            h1_ref[...] += p

    @pl.when(k != _KT - 1)
    def _():
        _acc(lax.dot_general(
            xt_ref[...], w1x_ref[...],
            dimension_numbers=(((0,), (0,)), ((), ())),
            preferred_element_type=jnp.float32))

    @pl.when(k == _KT - 1)
    def _():
        valid = lax.broadcasted_iota(jnp.int32, (_TK, 1), 0) < _KLAST
        xm = jnp.where(valid, xt_ref[...], 0.0)
        wm = jnp.where(valid, w1x_ref[...], 0.0)
        _acc(lax.dot_general(
            xm, wm,
            dimension_numbers=(((0,), (0,)), ((), ())),
            preferred_element_type=jnp.float32))

    @pl.when(k == _KT - 1)
    def _():
        nu = _NU * _EMB
        h1 = (h1_ref[...]
              + jnp.dot(ue_ref[...], w1e_ref[:nu, :],
                        preferred_element_type=jnp.float32)
              + jnp.dot(ie_ref[...], w1e_ref[nu:, :],
                        preferred_element_type=jnp.float32))
        m1 = jnp.mean(h1, axis=0, keepdims=True)
        v1 = jnp.mean((h1 - m1) * (h1 - m1), axis=0, keepdims=True)
        h = (h1 - m1) * lax.rsqrt(v1 + 1e-5) * g1_ref[...] + be1_ref[...]
        h = jnp.maximum(h, 0.0)
        h2 = jnp.dot(h, w2_ref[...], preferred_element_type=jnp.float32)
        m2 = jnp.mean(h2, axis=0, keepdims=True)
        v2 = jnp.mean((h2 - m2) * (h2 - m2), axis=0, keepdims=True)
        h2 = (h2 - m2) * lax.rsqrt(v2 + 1e-5) * g2_ref[...] + be2_ref[...]
        h2 = jnp.maximum(h2, 0.0)
        out_ref[...] = (jnp.dot(h2, w3_ref[...],
                                preferred_element_type=jnp.float32)
                        + b3_ref[...])


def _fused(xt, W1x, ue, ie, W1e, g1, be1, W2, g2, be2, W3, b3):
    full = lambda s: pl.BlockSpec(s, lambda k: (0,) * len(s))
    return pl.pallas_call(
        _fused_body,
        grid=(_KT,),
        in_specs=[
            pl.BlockSpec((_TK, _BATCH), lambda k: (k, 0)),
            pl.BlockSpec((_TK, _LAYER), lambda k: (k, 0)),
            full((_BATCH, _NU * _EMB)),
            full((_BATCH, _NI * _EMB)),
            full((_Q, _LAYER)),
            full((1, _LAYER)),
            full((1, _LAYER)),
            full((_LAYER, _LAYER)),
            full((1, _LAYER)),
            full((1, _LAYER)),
            full((_LAYER, _NI)),
            full((1, _NI)),
        ],
        out_specs=full((_BATCH, _NI)),
        out_shape=jax.ShapeDtypeStruct((_BATCH, _NI), jnp.float32),
        scratch_shapes=[pltpu.VMEM((_BATCH, _LAYER), jnp.float32)],
        compiler_params=pltpu.CompilerParams(
            vmem_limit_bytes=100 * 1024 * 1024),
    )(xt, W1x, ue, ie, W1e, g1, be1, W2, g2, be2, W3, b3)


def kernel(x, u_cats, i_cats, user_table, item_table,
           W1, b1, g1, be1, W2, b2, g2, be2, W3, b3):
    u_idx = u_cats.reshape(_UB)
    i_idx = i_cats.reshape(_IB)
    u_rows, i_rows = _sc_gather()(u_idx, i_idx, user_table, item_table)
    ue = u_rows.reshape(_BATCH, _NU * _EMB)
    ie = i_rows.reshape(_BATCH, _NI * _EMB)
    nde = _NU * _EMB + _NI * _EMB
    return _fused(x.T, W1[nde:, :], ue, ie, W1[:nde, :],
                  g1.reshape(1, _LAYER), be1.reshape(1, _LAYER),
                  W2, g2.reshape(1, _LAYER), be2.reshape(1, _LAYER),
                  W3, b3.reshape(1, _NI))

# --- scband reference (transcript-rebuilt; emitter-appended) ---
"""Pipeline reference for scband-embedding-ranking-model-3152505995388 (READ-ONLY COPY).

The authoritative reference and input builder live on the scoring server;
editing this copy changes nothing except your own understanding.
"""

import jax, jax.numpy as jnp
import numpy as np

N_DOCS = 10
LAYER = 256
EMB = 16
N_USERS = 2
N_USER_FEAT = 4
N_ITEM_FEAT = 8
N_TEXT_FEAT = 2
N_TEXT_SIZE = 768
VOCAB = 1000000
BATCH = 4096
X_DIM = N_DOCS * N_ITEM_FEAT + N_TEXT_FEAT * N_DOCS * N_TEXT_SIZE + N_USERS * N_USER_FEAT
TOT = N_USERS * EMB + N_DOCS * EMB + X_DIM


def setup_inputs(seed: int = 0):
    key = jax.random.key(seed)
    ks = jax.random.split(key, 16)
    x = jax.random.normal(ks[0], (BATCH, X_DIM), dtype=jnp.float32)
    u_cats = jax.random.randint(ks[1], (BATCH, N_USERS), 0, VOCAB, dtype=jnp.int32)
    i_cats = jax.random.randint(ks[2], (BATCH, N_DOCS), 0, VOCAB, dtype=jnp.int32)
    user_table = jax.random.normal(ks[3], (VOCAB, EMB), dtype=jnp.float32) * 0.02
    item_table = jax.random.normal(ks[4], (VOCAB, EMB), dtype=jnp.float32) * 0.02
    W1 = jax.random.normal(ks[5], (TOT, LAYER), dtype=jnp.float32) * 0.02
    b1 = jnp.zeros((LAYER,), dtype=jnp.float32)
    g1 = jnp.ones((LAYER,), dtype=jnp.float32)
    be1 = jnp.zeros((LAYER,), dtype=jnp.float32)
    W2 = jax.random.normal(ks[6], (LAYER, LAYER), dtype=jnp.float32) * 0.02
    b2 = jnp.zeros((LAYER,), dtype=jnp.float32)
    g2 = jnp.ones((LAYER,), dtype=jnp.float32)
    be2 = jnp.zeros((LAYER,), dtype=jnp.float32)
    W3 = jax.random.normal(ks[7], (LAYER, N_DOCS), dtype=jnp.float32) * 0.02
    b3 = jnp.zeros((N_DOCS,), dtype=jnp.float32)
    return {"x": x, "u_cats": u_cats, "i_cats": i_cats, "user_table": user_table,
            "item_table": item_table, "W1": W1, "b1": b1, "g1": g1, "be1": be1,
            "W2": W2, "b2": b2, "g2": g2, "be2": be2, "W3": W3, "b3": b3}


def _batchnorm(h, g, b):
    m = jnp.mean(h, axis=0)
    v = jnp.var(h, axis=0)
    return (h - m) / jnp.sqrt(v + 1e-5) * g + b


def reference(x, u_cats, i_cats, user_table, item_table, W1, b1, g1, be1, W2, b2, g2, be2, W3, b3):
    u_embs = jnp.take(user_table, u_cats, axis=0).reshape(BATCH, -1)
    i_embs = jnp.take(item_table, i_cats, axis=0).reshape(BATCH, -1)
    h = jnp.concatenate([u_embs, i_embs, x], axis=1)
    h = h @ W1 + b1
    h = jax.nn.relu(_batchnorm(h, g1, be1))
    h = h @ W2 + b2
    h = jax.nn.relu(_batchnorm(h, g2, be2))
    out = h @ W3 + b3
    return out

if __name__ == "__main__":
    import jax
    _d = setup_inputs()
    print(jax.jit(kernel)(*tuple(_d.values())))

</pallas_src>

<mosaic_0001>
#map = affine_map<(d0, d1) -> (0)>
#map1 = affine_map<(d0, d1) -> (0, 0)>
module attributes {stable_mosaic.version = 14 : i64} {
  func.func @_sc_gather_body(%arg0: i32, %arg1: i32, %arg2: memref<8192xi32, #tpu.memory_space<hbm>>, %arg3: memref<40960xi32, #tpu.memory_space<hbm>>, %arg4: memref<1000000x16xf32, #tpu.memory_space<hbm>>, %arg5: memref<1000000x16xf32, #tpu.memory_space<hbm>>, %arg6: memref<8192x16xf32, #tpu.memory_space<hbm>>, %arg7: memref<40960x16xf32, #tpu.memory_space<hbm>>, %arg8: memref<256xi32, #tpu.memory_space<vmem>>, %arg9: memref<256x16xf32, #tpu.memory_space<vmem>>, %arg10: memref<1280xi32, #tpu.memory_space<vmem>>, %arg11: memref<1280x16xf32, #tpu.memory_space<vmem>>, %arg12: memref<!tpu.dma_semaphore, #tpu.memory_space<semaphore_mem>>) attributes {dimension_semantics = [#tpu.dimension_semantics<core_parallel>, #tpu.dimension_semantics<subcore_parallel>], iteration_bounds = array<i64: 2, 16>, scalar_prefetch = 0 : i64, scratch_operands = 5 : i64, tpu.core_type = #tpu.core_type<sc_vector_subcore>, window_params = [{transform_indices = #map}, {transform_indices = #map}, {transform_indices = #map1}, {transform_indices = #map1}, {transform_indices = #map1}, {transform_indices = #map1}]} {
    %mul3A = arith.constant 2 : i32
    %mul3A_0 = arith.muli %arg1, %mul3A : i32
    %add3A = arith.addi %mul3A_0, %arg0 : i32
    %mul3A_1 = arith.constant 256 : i32
    %mul3A_2 = arith.muli %add3A, %mul3A_1 : i32
    "tpu.region"() ({
      %run_scoped3A = tpu.sem_alloc : memref<!tpu.dma_semaphore, #tpu.memory_space<semaphore_mem>>
      %dma_start3A_199 = tpu.memref_slice %arg2[%mul3A_2] : memref<8192xi32, #tpu.memory_space<hbm>> -> memref<256xi32, #tpu.memory_space<hbm>>
      %dma_start3A_200 = tpu.memref_slice %arg2[%mul3A_2] : memref<8192xi32, #tpu.memory_space<hbm>> -> memref<256xi32, #tpu.memory_space<hbm>>
      tpu.enqueue_dma source(%dma_start3A_200 : memref<256xi32, #tpu.memory_space<hbm>>) target(%arg8 : memref<256xi32, #tpu.memory_space<vmem>>) target_semaphore(%run_scoped3A : memref<!tpu.dma_semaphore, #tpu.memory_space<semaphore_mem>>)
      %dma_wait3A_201 = tpu.memref_slice %arg2[%mul3A_2] : memref<8192xi32, #tpu.memory_space<hbm>> -> memref<256xi32, #tpu.memory_space<hbm>>
      %dma_wait3A_202 = tpu.memref_slice %arg2[%mul3A_2] : memref<8192xi32, #tpu.memory_space<hbm>> -> memref<256xi32, #tpu.memory_space<hbm>>
      tpu.wait_dma2 semaphore(%run_scoped3A : memref<!tpu.dma_semaphore, #tpu.memory_space<semaphore_mem>>) src(%dma_wait3A_202 : memref<256xi32, #tpu.memory_space<hbm>>) dst(%arg8 : memref<256xi32, #tpu.memory_space<vmem>>)
      tpu.yield
    }) : () -> ()
    %mul3A_3 = arith.constant 1280 : i32
    %mul3A_4 = arith.muli %add3A, %mul3A_3 : i32
    "tpu.region"() ({
      %run_scoped3A = tpu.sem_alloc : memref<!tpu.dma_semaphore, #tpu.memory_space<semaphore_mem>>
      %dma_start3A_199 = tpu.memref_slice %arg3[%mul3A_4] : memref<40960xi32, #tpu.memory_space<hbm>> -> memref<1280xi32, #tpu.memory_space<hbm>>
      %dma_start3A_200 = tpu.memref_slice %arg3[%mul3A_4] : memref<40960xi32, #tpu.memory_space<hbm>> -> memref<1280xi32, #tpu.memory_space<hbm>>
      tpu.enqueue_dma source(%dma_start3A_200 : memref<1280xi32, #tpu.memory_space<hbm>>) target(%arg10 : memref<1280xi32, #tpu.memory_space<vmem>>) target_semaphore(%run_scoped3A : memref<!tpu.dma_semaphore, #tpu.memory_space<semaphore_mem>>)
      %dma_wait3A_201 = tpu.memref_slice %arg3[%mul3A_4] : memref<40960xi32, #tpu.memory_space<hbm>> -> memref<1280xi32, #tpu.memory_space<hbm>>
      %dma_wait3A_202 = tpu.memref_slice %arg3[%mul3A_4] : memref<40960xi32, #tpu.memory_space<hbm>> -> memref<1280xi32, #tpu.memory_space<hbm>>
      tpu.wait_dma2 semaphore(%run_scoped3A : memref<!tpu.dma_semaphore, #tpu.memory_space<semaphore_mem>>) src(%dma_wait3A_202 : memref<1280xi32, #tpu.memory_space<hbm>>) dst(%arg10 : memref<1280xi32, #tpu.memory_space<vmem>>)
      tpu.yield
    }) : () -> ()
    %dma_start3A = arith.constant 0 : i32
    %dma_start3A_5 = arith.constant 0 : i32
    %dma_start3A_6 = tpu.memref_slice %arg9[%dma_start3A, %dma_start3A_5] : memref<256x16xf32, #tpu.memory_space<vmem>> -> memref<128x16xf32, #tpu.memory_space<vmem>>
    %dma_start3A_7 = arith.constant 0 : i32
    %dma_start3A_8 = tpu.memref_slice %arg8[%dma_start3A_7] : memref<256xi32, #tpu.memory_space<vmem>> -> memref<128xi32, #tpu.memory_space<vmem>>
    %dma_start3A_9 = arith.constant 0 : i32
    %dma_start3A_10 = arith.constant 0 : i32
    %dma_start3A_11 = tpu.memref_slice %arg4[%dma_start3A_9, %dma_start3A_10] : memref<1000000x16xf32, #tpu.memory_space<hbm>> -> memref<1000000x16xf32, #tpu.memory_space<hbm>>
    tpu.enqueue_indirect_dma source(%dma_start3A_11 : memref<1000000x16xf32, #tpu.memory_space<hbm>>) target(%dma_start3A_6 : memref<128x16xf32, #tpu.memory_space<vmem>>) offsets(%dma_start3A_8 : memref<128xi32, #tpu.memory_space<vmem>>) semaphore(%arg12 : memref<!tpu.dma_semaphore, #tpu.memory_space<semaphore_mem>>)
    %dma_start3A_12 = arith.constant 128 : i32
    %dma_start3A_13 = arith.constant 0 : i32
    %dma_start3A_14 = tpu.memref_slice %arg9[%dma_start3A_12, %dma_start3A_13] : memref<256x16xf32, #tpu.memory_space<vmem>> -> memref<128x16xf32, #tpu.memory_space<vmem>>
    %dma_start3A_15 = arith.constant 128 : i32
    %dma_start3A_16 = tpu.memref_slice %arg8[%dma_start3A_15] : memref<256xi32, #tpu.memory_space<vmem>> -> memref<128xi32, #tpu.memory_space<vmem>>
    %dma_start3A_17 = arith.constant 0 : i32
    %dma_start3A_18 = arith.constant 0 : i32
    %dma_start3A_19 = tpu.memref_slice %arg4[%dma_start3A_17, %dma_start3A_18] : memref<1000000x16xf32, #tpu.memory_space<hbm>> -> memref<1000000x16xf32, #tpu.memory_space<hbm>>
    tpu.enqueue_indirect_dma source(%dma_start3A_19 : memref<1000000x16xf32, #tpu.memory_space<hbm>>) target(%dma_start3A_14 : memref<128x16xf32, #tpu.memory_space<vmem>>) offsets(%dma_start3A_16 : memref<128xi32, #tpu.memory_space<vmem>>) semaphore(%arg12 : memref<!tpu.dma_semaphore, #tpu.memory_space<semaphore_mem>>)
    %dma_start3A_20 = arith.constant 0 : i32
    %dma_start3A_21 = arith.constant 0 : i32
    %dma_start3A_22 = tpu.memref_slice %arg11[%dma_start3A_20, %dma_start3A_21] : memref<1280x16xf32, #tpu.memory_space<vmem>> -> memref<128x16xf32, #tpu.memory_space<vmem>>
    %dma_start3A_23 = arith.constant 0 : i32
    %dma_start3A_24 = tpu.memref_slice %arg10[%dma_start3A_23] : memref<1280xi32, #tpu.memory_space<vmem>> -> memref<128xi32, #tpu.memory_space<vmem>>
    %dma_start3A_25 = arith.constant 0 : i32
    %dma_start3A_26 = arith.constant 0 : i32
    %dma_start3A_27 = tpu.memref_slice %arg5[%dma_start3A_25, %dma_start3A_26] : memref<1000000x16xf32, #tpu.memory_space<hbm>> -> memref<1000000x16xf32, #tpu.memory_space<hbm>>
    tpu.enqueue_indirect_dma source(%dma_start3A_27 : memref<1000000x16xf32, #tpu.memory_space<hbm>>) target(%dma_start3A_22 : memref<128x16xf32, #tpu.memory_space<vmem>>) offsets(%dma_start3A_24 : memref<128xi32, #tpu.memory_space<vmem>>) semaphore(%arg12 : memref<!tpu.dma_semaphore, #tpu.memory_space<semaphore_mem>>)
    %dma_start3A_28 = arith.constant 128 : i32
    %dma_start3A_29 = arith.constant 0 : i32
    %dma_start3A_30 = tpu.memref_slice %arg11[%dma_start3A_28, %dma_start3A_29] : memref<1280x16xf32, #tpu.memory_space<vmem>> -> memref<128x16xf32, #tpu.memory_space<vmem>>
    %dma_start3A_31 = arith.constant 128 : i32
    %dma_start3A_32 = tpu.memref_slice %arg10[%dma_start3A_31] : memref<1280xi32, #tpu.memory_space<vmem>> -> memref<128xi32, #tpu.memory_space<vmem>>
    %dma_start3A_33 = arith.constant 0 : i32
    %dma_start3A_34 = arith.constant 0 : i32
    %dma_start3A_35 = tpu.memref_slice %arg5[%dma_start3A_33, %dma_start3A_34] : memref<1000000x16xf32, #tpu.memory_space<hbm>> -> memref<1000000x16xf32, #tpu.memory_space<hbm>>
    tpu.enqueue_indirect_dma source(%dma_start3A_35 : memref<1000000x16xf32, #tpu.memory_space<hbm>>) target(%dma_start3A_30 : memref<128x16xf32, #tpu.memory_space<vmem>>) offsets(%dma_start3A_32 : memref<128xi32, #tpu.memory_space<vmem>>) semaphore(%arg12 : memref<!tpu.dma_semaphore, #tpu.memory_space<semaphore_mem>>)
    %dma_start3A_36 = arith.constant 256 : i32
    %dma_start3A_37 = arith.constant 0 : i32
    %dma_start3A_38 = tpu.memref_slice %arg11[%dma_start3A_36, %dma_start3A_37] : memref<1280x16xf32, #tpu.memory_space<vmem>> -> memref<128x16xf32, #tpu.memory_space<vmem>>
    %dma_start3A_39 = arith.constant 256 : i32
    %dma_start3A_40 = tpu.memref_slice %arg10[%dma_start3A_39] : memref<1280xi32, #tpu.memory_space<vmem>> -> memref<128xi32, #tpu.memory_space<vmem>>
    %dma_start3A_41 = arith.constant 0 : i32
    %dma_start3A_42 = arith.constant 0 : i32
    %dma_start3A_43 = tpu.memref_slice %arg5[%dma_start3A_41, %dma_start3A_42] : memref<1000000x16xf32, #tpu.memory_space<hbm>> -> memref<1000000x16xf32, #tpu.memory_space<hbm>>
    tpu.enqueue_indirect_dma source(%dma_start3A_43 : memref<1000000x16xf32, #tpu.memory_space<hbm>>) target(%dma_start3A_38 : memref<128x16xf32, #tpu.memory_space<vmem>>) offsets(%dma_start3A_40 : memref<128xi32, #tpu.memory_space<vmem>>) semaphore(%arg12 : memref<!tpu.dma_semaphore, #tpu.memory_space<semaphore_mem>>)
    %dma_start3A_44 = arith.constant 384 : i32
    %dma_start3A_45 = arith.constant 0 : i32
    %dma_start3A_46 = tpu.memref_slice %arg11[%dma_start3A_44, %dma_start3A_45] : memref<1280x16xf32, #tpu.memory_space<vmem>> -> memref<128x16xf32, #tpu.memory_space<vmem>>
    %dma_start3A_47 = arith.constant 384 : i32
    %dma_start3A_48 = tpu.memref_slice %arg10[%dma_start3A_47] : memref<1280xi32, #tpu.memory_space<vmem>> -> memref<128xi32, #tpu.memory_space<vmem>>
    %dma_start3A_49 = arith.constant 0 : i32
    %dma_start3A_50 = arith.constant 0 : i32
    %dma_start3A_51 = tpu.memref_slice %arg5[%dma_start3A_49, %dma_start3A_50] : memref<1000000x16xf32, #tpu.memory_space<hbm>> -> memref<1000000x16xf32, #tpu.memory_space<hbm>>
    tpu.enqueue_indirect_dma source(%dma_start3A_51 : memref<1000000x16xf32, #tpu.memory_space<hbm>>) target(%dma_start3A_46 : memref<128x16xf32, #tpu.memory_space<vmem>>) offsets(%dma_start3A_48 : memref<128xi32, #tpu.memory_space<vmem>>) semaphore(%arg12 : memref<!tpu.dma_semaphore, #tpu.memory_space<semaphore_mem>>)
    %dma_start3A_52 = arith.constant 512 : i32
    %dma_start3A_53 = arith.constant 0 : i32
    %dma_start3A_54 = tpu.memref_slice %arg11[%dma_start3A_52, %dma_start3A_53] : memref<1280x16xf32, #tpu.memory_space<vmem>> -> memref<128x16xf32, #tpu.memory_space<vmem>>
    %dma_start3A_55 = arith.constant 512 : i32
    %dma_start3A_56 = tpu.memref_slice %arg10[%dma_start3A_55] : memref<1280xi32, #tpu.memory_space<vmem>> -> memref<128xi32, #tpu.memory_space<vmem>>
    %dma_start3A_57 = arith.constant 0 : i32
    %dma_start3A_58 = arith.constant 0 : i32
    %dma_start3A_59 = tpu.memref_slice %arg5[%dma_start3A_57, %dma_start3A_58] : memref<1000000x16xf32, #tpu.memory_space<hbm>> -> memref<1000000x16xf32, #tpu.memory_space<hbm>>
    tpu.enqueue_indirect_dma source(%dma_start3A_59 : memref<1000000x16xf32, #tpu.memory_space<hbm>>) target(%dma_start3A_54 : memref<128x16xf32, #tpu.memory_space<vmem>>) offsets(%dma_start3A_56 : memref<128xi32, #tpu.memory_space<vmem>>) semaphore(%arg12 : memref<!tpu.dma_semaphore, #tpu.memory_space<semaphore_mem>>)
    %dma_start3A_60 = arith.constant 640 : i32
    %dma_start3A_61 = arith.constant 0 : i32
    %dma_start3A_62 = tpu.memref_slice %arg11[%dma_start3A_60, %dma_start3A_61] : memref<1280x16xf32, #tpu.memory_space<vmem>> -> memref<128x16xf32, #tpu.memory_space<vmem>>
    %dma_start3A_63 = arith.constant 640 : i32
    %dma_start3A_64 = tpu.memref_slice %arg10[%dma_start3A_63] : memref<1280xi32, #tpu.memory_space<vmem>> -> memref<128xi32, #tpu.memory_space<vmem>>
    %dma_start3A_65 = arith.constant 0 : i32
    %dma_start3A_66 = arith.constant 0 : i32
    %dma_start3A_67 = tpu.memref_slice %arg5[%dma_start3A_65, %dma_start3A_66] : memref<1000000x16xf32, #tpu.memory_space<hbm>> -> memref<1000000x16xf32, #tpu.memory_space<hbm>>
    tpu.enqueue_indirect_dma source(%dma_start3A_67 : memref<1000000x16xf32, #tpu.memory_space<hbm>>) target(%dma_start3A_62 : memref<128x16xf32, #tpu.memory_space<vmem>>) offsets(%dma_start3A_64 : memref<128xi32, #tpu.memory_space<vmem>>) semaphore(%arg12 : memref<!tpu.dma_semaphore, #tpu.memory_space<semaphore_mem>>)
    %dma_start3A_68 = arith.constant 768 : i32
    %dma_start3A_69 = arith.constant 0 : i32
    %dma_start3A_70 = tpu.memref_slice %arg11[%dma_start3A_68, %dma_start3A_69] : memref<1280x16xf32, #tpu.memory_space<vmem>> -> memref<128x16xf32, #tpu.memory_space<vmem>>
    %dma_start3A_71 = arith.constant 768 : i32
    %dma_start3A_72 = tpu.memref_slice %arg10[%dma_start3A_71] : memref<1280xi32, #tpu.memory_space<vmem>> -> memref<128xi32, #tpu.memory_space<vmem>>
    %dma_start3A_73 = arith.constant 0 : i32
    %dma_start3A_74 = arith.constant 0 : i32
    %dma_start3A_75 = tpu.memref_slice %arg5[%dma_start3A_73, %dma_start3A_74] : memref<1000000x16xf32, #tpu.memory_space<hbm>> -> memref<1000000x16xf32, #tpu.memory_space<hbm>>
    tpu.enqueue_indirect_dma source(%dma_start3A_75 : memref<1000000x16xf32, #tpu.memory_space<hbm>>) target(%dma_start3A_70 : memref<128x16xf32, #tpu.memory_space<vmem>>) offsets(%dma_start3A_72 : memref<128xi32, #tpu.memory_space<vmem>>) semaphore(%arg12 : memref<!tpu.dma_semaphore, #tpu.memory_space<semaphore_mem>>)
    %dma_start3A_76 = arith.constant 896 : i32
    %dma_start3A_77 = arith.constant 0 : i32
    %dma_start3A_78 = tpu.memref_slice %arg11[%dma_start3A_76, %dma_start3A_77] : memref<1280x16xf32, #tpu.memory_space<vmem>> -> memref<128x16xf32, #tpu.memory_space<vmem>>
    %dma_start3A_79 = arith.constant 896 : i32
    %dma_start3A_80 = tpu.memref_slice %arg10[%dma_start3A_79] : memref<1280xi32, #tpu.memory_space<vmem>> -> memref<128xi32, #tpu.memory_space<vmem>>
    %dma_start3A_81 = arith.constant 0 : i32
    %dma_start3A_82 = arith.constant 0 : i32
    %dma_start3A_83 = tpu.memref_slice %arg5[%dma_start3A_81, %dma_start3A_82] : memref<1000000x16xf32, #tpu.memory_space<hbm>> -> memref<1000000x16xf32, #tpu.memory_space<hbm>>
    tpu.enqueue_indirect_dma source(%dma_start3A_83 : memref<1000000x16xf32, #tpu.memory_space<hbm>>) target(%dma_start3A_78 : memref<128x16xf32, #tpu.memory_space<vmem>>) offsets(%dma_start3A_80 : memref<128xi32, #tpu.memory_space<vmem>>) semaphore(%arg12 : memref<!tpu.dma_semaphore, #tpu.memory_space<semaphore_mem>>)
    %dma_start3A_84 = arith.constant 1024 : i32
    %dma_start3A_85 = arith.constant 0 : i32
    %dma_start3A_86 = tpu.memref_slice %arg11[%dma_start3A_84, %dma_start3A_85] : memref<1280x16xf32, #tpu.memory_space<vmem>> -> memref<128x16xf32, #tpu.memory_space<vmem>>
    %dma_start3A_87 = arith.constant 1024 : i32
    %dma_start3A_88 = tpu.memref_slice %arg10[%dma_start3A_87] : memref<1280xi32, #tpu.memory_space<vmem>> -> memref<128xi32, #tpu.memory_space<vmem>>
    %dma_start3A_89 = arith.constant 0 : i32
    %dma_start3A_90 = arith.constant 0 : i32
    %dma_start3A_91 = tpu.memref_slice %arg5[%dma_start3A_89, %dma_start3A_90] : memref<1000000x16xf32, #tpu.memory_space<hbm>> -> memref<1000000x16xf32, #tpu.memory_space<hbm>>
    tpu.enqueue_indirect_dma source(%dma_start3A_91 : memref<1000000x16xf32, #tpu.memory_space<hbm>>) target(%dma_start3A_86 : memref<128x16xf32, #tpu.memory_space<vmem>>) offsets(%dma_start3A_88 : memref<128xi32, #tpu.memory_space<vmem>>) semaphore(%arg12 : memref<!tpu.dma_semaphore, #tpu.memory_space<semaphore_mem>>)
    %dma_start3A_92 = arith.constant 1152 : i32
    %dma_start3A_93 = arith.constant 0 : i32
    %dma_start3A_94 = tpu.memref_slice %arg11[%dma_start3A_92, %dma_start3A_93] : memref<1280x16xf32, #tpu.memory_space<vmem>> -> memref<128x16xf32, #tpu.memory_space<vmem>>
    %dma_start3A_95 = arith.constant 1152 : i32
    %dma_start3A_96 = tpu.memref_slice %arg10[%dma_start3A_95] : memref<1280xi32, #tpu.memory_space<vmem>> -> memref<128xi32, #tpu.memory_space<vmem>>
    %dma_start3A_97 = arith.constant 0 : i32
    %dma_start3A_98 = arith.constant 0 : i32
    %dma_start3A_99 = tpu.memref_slice %arg5[%dma_start3A_97, %dma_start3A_98] : memref<1000000x16xf32, #tpu.memory_space<hbm>> -> memref<1000000x16xf32, #tpu.memory_space<hbm>>
    tpu.enqueue_indirect_dma source(%dma_start3A_99 : memref<1000000x16xf32, #tpu.memory_space<hbm>>) target(%dma_start3A_94 : memref<128x16xf32, #tpu.memory_space<vmem>>) offsets(%dma_start3A_96 : memref<128xi32, #tpu.memory_space<vmem>>) semaphore(%arg12 : memref<!tpu.dma_semaphore, #tpu.memory_space<semaphore_mem>>)
    %dma_wait3A = arith.constant 0 : i32
    %dma_wait3A_100 = arith.constant 0 : i32
    %dma_wait3A_101 = tpu.memref_slice %arg9[%dma_wait3A, %dma_wait3A_100] : memref<256x16xf32, #tpu.memory_space<vmem>> -> memref<128x16xf32, #tpu.memory_space<vmem>>
    %dma_wait3A_102 = arith.constant 0 : i32
    %dma_wait3A_103 = tpu.memref_slice %arg8[%dma_wait3A_102] : memref<256xi32, #tpu.memory_space<vmem>> -> memref<128xi32, #tpu.memory_space<vmem>>
    %dma_wait3A_104 = arith.constant 0 : i32
    %dma_wait3A_105 = arith.constant 0 : i32
    %dma_wait3A_106 = tpu.memref_slice %arg4[%dma_wait3A_104, %dma_wait3A_105] : memref<1000000x16xf32, #tpu.memory_space<hbm>> -> memref<1000000x16xf32, #tpu.memory_space<hbm>>
    tpu.wait_indirect_dma semaphore(%arg12 : memref<!tpu.dma_semaphore, #tpu.memory_space<semaphore_mem>>) src(%dma_wait3A_106 : memref<1000000x16xf32, #tpu.memory_space<hbm>>) dst(%dma_wait3A_101 : memref<128x16xf32, #tpu.memory_space<vmem>>)
    %dma_wait3A_107 = arith.constant 128 : i32
    %dma_wait3A_108 = arith.constant 0 : i32
    %dma_wait3A_109 = tpu.memref_slice %arg9[%dma_wait3A_107, %dma_wait3A_108] : memref<256x16xf32, #tpu.memory_space<vmem>> -> memref<128x16xf32, #tpu.memory_space<vmem>>
    %dma_wait3A_110 = arith.constant 128 : i32
    %dma_wait3A_111 = tpu.memref_slice %arg8[%dma_wait3A_110] : memref<256xi32, #tpu.memory_space<vmem>> -> memref<128xi32, #tpu.memory_space<vmem>>
    %dma_wait3A_112 = arith.constant 0 : i32
    %dma_wait3A_113 = arith.constant 0 : i32
    %dma_wait3A_114 = tpu.memref_slice %arg4[%dma_wait3A_112, %dma_wait3A_113] : memref<1000000x16xf32, #tpu.memory_space<hbm>> -> memref<1000000x16xf32, #tpu.memory_space<hbm>>
    tpu.wait_indirect_dma semaphore(%arg12 : memref<!tpu.dma_semaphore, #tpu.memory_space<semaphore_mem>>) src(%dma_wait3A_114 : memref<1000000x16xf32, #tpu.memory_space<hbm>>) dst(%dma_wait3A_109 : memref<128x16xf32, #tpu.memory_space<vmem>>)
    %dma_wait3A_115 = arith.constant 0 : i32
    %dma_wait3A_116 = arith.constant 0 : i32
    %dma_wait3A_117 = tpu.memref_slice %arg11[%dma_wait3A_115, %dma_wait3A_116] : memref<1280x16xf32, #tpu.memory_space<vmem>> -> memref<128x16xf32, #tpu.memory_space<vmem>>
    %dma_wait3A_118 = arith.constant 0 : i32
    %dma_wait3A_119 = tpu.memref_slice %arg10[%dma_wait3A_118] : memref<1280xi32, #tpu.memory_space<vmem>> -> memref<128xi32, #tpu.memory_space<vmem>>
    %dma_wait3A_120 = arith.constant 0 : i32
    %dma_wait3A_121 = arith.constant 0 : i32
    %dma_wait3A_122 = tpu.memref_slice %arg5[%dma_wait3A_120, %dma_wait3A_121] : memref<1000000x16xf32, #tpu.memory_space<hbm>> -> memref<1000000x16xf32, #tpu.memory_space<hbm>>
    tpu.wait_indirect_dma semaphore(%arg12 : memref<!tpu.dma_semaphore, #tpu.memory_space<semaphore_mem>>) src(%dma_wait3A_122 : memref<1000000x16xf32, #tpu.memory_space<hbm>>) dst(%dma_wait3A_117 : memref<128x16xf32, #tpu.memory_space<vmem>>)
    %dma_wait3A_123 = arith.constant 128 : i32
    %dma_wait3A_124 = arith.constant 0 : i32
    %dma_wait3A_125 = tpu.memref_slice %arg11[%dma_wait3A_123, %dma_wait3A_124] : memref<1280x16xf32, #tpu.memory_space<vmem>> -> memref<128x16xf32, #tpu.memory_space<vmem>>
    %dma_wait3A_126 = arith.constant 128 : i32
    %dma_wait3A_127 = tpu.memref_slice %arg10[%dma_wait3A_126] : memref<1280xi32, #tpu.memory_space<vmem>> -> memref<128xi32, #tpu.memory_space<vmem>>
    %dma_wait3A_128 = arith.constant 0 : i32
    %dma_wait3A_129 = arith.constant 0 : i32
    %dma_wait3A_130 = tpu.memref_slice %arg5[%dma_wait3A_128, %dma_wait3A_129] : memref<1000000x16xf32, #tpu.memory_space<hbm>> -> memref<1000000x16xf32, #tpu.memory_space<hbm>>
    tpu.wait_indirect_dma semaphore(%arg12 : memref<!tpu.dma_semaphore, #tpu.memory_space<semaphore_mem>>) src(%dma_wait3A_130 : memref<1000000x16xf32, #tpu.memory_space<hbm>>) dst(%dma_wait3A_125 : memref<128x16xf32, #tpu.memory_space<vmem>>)
    %dma_wait3A_131 = arith.constant 256 : i32
    %dma_wait3A_132 = arith.constant 0 : i32
    %dma_wait3A_133 = tpu.memref_slice %arg11[%dma_wait3A_131, %dma_wait3A_132] : memref<1280x16xf32, #tpu.memory_space<vmem>> -> memref<128x16xf32, #tpu.memory_space<vmem>>
    %dma_wait3A_134 = arith.constant 256 : i32
    %dma_wait3A_135 = tpu.memref_slice %arg10[%dma_wait3A_134] : memref<1280xi32, #tpu.memory_space<vmem>> -> memref<128xi32, #tpu.memory_space<vmem>>
    %dma_wait3A_136 = arith.constant 0 : i32
    %dma_wait3A_137 = arith.constant 0 : i32
    %dma_wait3A_138 = tpu.memref_slice %arg5[%dma_wait3A_136, %dma_wait3A_137] : memref<1000000x16xf32, #tpu.memory_space<hbm>> -> memref<1000000x16xf32, #tpu.memory_space<hbm>>
    tpu.wait_indirect_dma semaphore(%arg12 : memref<!tpu.dma_semaphore, #tpu.memory_space<semaphore_mem>>) src(%dma_wait3A_138 : memref<1000000x16xf32, #tpu.memory_space<hbm>>) dst(%dma_wait3A_133 : memref<128x16xf32, #tpu.memory_space<vmem>>)
    %dma_wait3A_139 = arith.constant 384 : i32
    %dma_wait3A_140 = arith.constant 0 : i32
    %dma_wait3A_141 = tpu.memref_slice %arg11[%dma_wait3A_139, %dma_wait3A_140] : memref<1280x16xf32, #tpu.memory_space<vmem>> -> memref<128x16xf32, #tpu.memory_space<vmem>>
    %dma_wait3A_142 = arith.constant 384 : i32
    %dma_wait3A_143 = tpu.memref_slice %arg10[%dma_wait3A_142] : memref<1280xi32, #tpu.memory_space<vmem>> -> memref<128xi32, #tpu.memory_space<vmem>>
    %dma_wait3A_144 = arith.constant 0 : i32
    %dma_wait3A_145 = arith.constant 0 : i32
    %dma_wait3A_146 = tpu.memref_slice %arg5[%dma_wait3A_144, %dma_wait3A_145] : memref<1000000x16xf32, #tpu.memory_space<hbm>> -> memref<1000000x16xf32, #tpu.memory_space<hbm>>
    tpu.wait_indirect_dma semaphore(%arg12 : memref<!tpu.dma_semaphore, #tpu.memory_space<semaphore_mem>>) src(%dma_wait3A_146 : memref<1000000x16xf32, #tpu.memory_space<hbm>>) dst(%dma_wait3A_141 : memref<128x16xf32, #tpu.memory_space<vmem>>)
    %dma_wait3A_147 = arith.constant 512 : i32
    %dma_wait3A_148 = arith.constant 0 : i32
    %dma_wait3A_149 = tpu.memref_slice %arg11[%dma_wait3A_147, %dma_wait3A_148] : memref<1280x16xf32, #tpu.memory_space<vmem>> -> memref<128x16xf32, #tpu.memory_space<vmem>>
    %dma_wait3A_150 = arith.constant 512 : i32
    %dma_wait3A_151 = tpu.memref_slice %arg10[%dma_wait3A_150] : memref<1280xi32, #tpu.memory_space<vmem>> -> memref<128xi32, #tpu.memory_space<vmem>>
    %dma_wait3A_152 = arith.constant 0 : i32
    %dma_wait3A_153 = arith.constant 0 : i32
    %dma_wait3A_154 = tpu.memref_slice %arg5[%dma_wait3A_152, %dma_wait3A_153] : memref<1000000x16xf32, #tpu.memory_space<hbm>> -> memref<1000000x16xf32, #tpu.memory_space<hbm>>
    tpu.wait_indirect_dma semaphore(%arg12 : memref<!tpu.dma_semaphore, #tpu.memory_space<semaphore_mem>>) src(%dma_wait3A_154 : memref<1000000x16xf32, #tpu.memory_space<hbm>>) dst(%dma_wait3A_149 : memref<128x16xf32, #tpu.memory_space<vmem>>)
    %dma_wait3A_155 = arith.constant 640 : i32
    %dma_wait3A_156 = arith.constant 0 : i32
    %dma_wait3A_157 = tpu.memref_slice %arg11[%dma_wait3A_155, %dma_wait3A_156] : memref<1280x16xf32, #tpu.memory_space<vmem>> -> memref<128x16xf32, #tpu.memory_space<vmem>>
    %dma_wait3A_158 = arith.constant 640 : i32
    %dma_wait3A_159 = tpu.memref_slice %arg10[%dma_wait3A_158] : memref<1280xi32, #tpu.memory_space<vmem>> -> memref<128xi32, #tpu.memory_space<vmem>>
    %dma_wait3A_160 = arith.constant 0 : i32
    %dma_wait3A_161 = arith.constant 0 : i32
    %dma_wait3A_162 = tpu.memref_slice %arg5[%dma_wait3A_160, %dma_wait3A_161] : memref<1000000x16xf32, #tpu.memory_space<hbm>> -> memref<1000000x16xf32, #tpu.memory_space<hbm>>
    tpu.wait_indirect_dma semaphore(%arg12 : memref<!tpu.dma_semaphore, #tpu.memory_space<semaphore_mem>>) src(%dma_wait3A_162 : memref<1000000x16xf32, #tpu.memory_space<hbm>>) dst(%dma_wait3A_157 : memref<128x16xf32, #tpu.memory_space<vmem>>)
    %dma_wait3A_163 = arith.constant 768 : i32
    %dma_wait3A_164 = arith.constant 0 : i32
    %dma_wait3A_165 = tpu.memref_slice %arg11[%dma_wait3A_163, %dma_wait3A_164] : memref<1280x16xf32, #tpu.memory_space<vmem>> -> memref<128x16xf32, #tpu.memory_space<vmem>>
    %dma_wait3A_166 = arith.constant 768 : i32
    %dma_wait3A_167 = tpu.memref_slice %arg10[%dma_wait3A_166] : memref<1280xi32, #tpu.memory_space<vmem>> -> memref<128xi32, #tpu.memory_space<vmem>>
    %dma_wait3A_168 = arith.constant 0 : i32
    %dma_wait3A_169 = arith.constant 0 : i32
    %dma_wait3A_170 = tpu.memref_slice %arg5[%dma_wait3A_168, %dma_wait3A_169] : memref<1000000x16xf32, #tpu.memory_space<hbm>> -> memref<1000000x16xf32, #tpu.memory_space<hbm>>
    tpu.wait_indirect_dma semaphore(%arg12 : memref<!tpu.dma_semaphore, #tpu.memory_space<semaphore_mem>>) src(%dma_wait3A_170 : memref<1000000x16xf32, #tpu.memory_space<hbm>>) dst(%dma_wait3A_165 : memref<128x16xf32, #tpu.memory_space<vmem>>)
    %dma_wait3A_171 = arith.constant 896 : i32
    %dma_wait3A_172 = arith.constant 0 : i32
    %dma_wait3A_173 = tpu.memref_slice %arg11[%dma_wait3A_171, %dma_wait3A_172] : memref<1280x16xf32, #tpu.memory_space<vmem>> -> memref<128x16xf32, #tpu.memory_space<vmem>>
    %dma_wait3A_174 = arith.constant 896 : i32
    %dma_wait3A_175 = tpu.memref_slice %arg10[%dma_wait3A_174] : memref<1280xi32, #tpu.memory_space<vmem>> -> memref<128xi32, #tpu.memory_space<vmem>>
    %dma_wait3A_176 = arith.constant 0 : i32
    %dma_wait3A_177 = arith.constant 0 : i32
    %dma_wait3A_178 = tpu.memref_slice %arg5[%dma_wait3A_176, %dma_wait3A_177] : memref<1000000x16xf32, #tpu.memory_space<hbm>> -> memref<1000000x16xf32, #tpu.memory_space<hbm>>
    tpu.wait_indirect_dma semaphore(%arg12 : memref<!tpu.dma_semaphore, #tpu.memory_space<semaphore_mem>>) src(%dma_wait3A_178 : memref<1000000x16xf32, #tpu.memory_space<hbm>>) dst(%dma_wait3A_173 : memref<128x16xf32, #tpu.memory_space<vmem>>)
    %dma_wait3A_179 = arith.constant 1024 : i32
    %dma_wait3A_180 = arith.constant 0 : i32
    %dma_wait3A_181 = tpu.memref_slice %arg11[%dma_wait3A_179, %dma_wait3A_180] : memref<1280x16xf32, #tpu.memory_space<vmem>> -> memref<128x16xf32, #tpu.memory_space<vmem>>
    %dma_wait3A_182 = arith.constant 1024 : i32
    %dma_wait3A_183 = tpu.memref_slice %arg10[%dma_wait3A_182] : memref<1280xi32, #tpu.memory_space<vmem>> -> memref<128xi32, #tpu.memory_space<vmem>>
    %dma_wait3A_184 = arith.constant 0 : i32
    %dma_wait3A_185 = arith.constant 0 : i32
    %dma_wait3A_186 = tpu.memref_slice %arg5[%dma_wait3A_184, %dma_wait3A_185] : memref<1000000x16xf32, #tpu.memory_space<hbm>> -> memref<1000000x16xf32, #tpu.memory_space<hbm>>
    tpu.wait_indirect_dma semaphore(%arg12 : memref<!tpu.dma_semaphore, #tpu.memory_space<semaphore_mem>>) src(%dma_wait3A_186 : memref<1000000x16xf32, #tpu.memory_space<hbm>>) dst(%dma_wait3A_181 : memref<128x16xf32, #tpu.memory_space<vmem>>)
    %dma_wait3A_187 = arith.constant 1152 : i32
    %dma_wait3A_188 = arith.constant 0 : i32
    %dma_wait3A_189 = tpu.memref_slice %arg11[%dma_wait3A_187, %dma_wait3A_188] : memref<1280x16xf32, #tpu.memory_space<vmem>> -> memref<128x16xf32, #tpu.memory_space<vmem>>
    %dma_wait3A_190 = arith.constant 1152 : i32
    %dma_wait3A_191 = tpu.memref_slice %arg10[%dma_wait3A_190] : memref<1280xi32, #tpu.memory_space<vmem>> -> memref<128xi32, #tpu.memory_space<vmem>>
    %dma_wait3A_192 = arith.constant 0 : i32
    %dma_wait3A_193 = arith.constant 0 : i32
    %dma_wait3A_194 = tpu.memref_slice %arg5[%dma_wait3A_192, %dma_wait3A_193] : memref<1000000x16xf32, #tpu.memory_space<hbm>> -> memref<1000000x16xf32, #tpu.memory_space<hbm>>
    tpu.wait_indirect_dma semaphore(%arg12 : memref<!tpu.dma_semaphore, #tpu.memory_space<semaphore_mem>>) src(%dma_wait3A_194 : memref<1000000x16xf32, #tpu.memory_space<hbm>>) dst(%dma_wait3A_189 : memref<128x16xf32, #tpu.memory_space<vmem>>)
    %mul3A_195 = arith.constant 256 : i32
    %mul3A_196 = arith.muli %add3A, %mul3A_195 : i32
    "tpu.region"() ({
      %run_scoped3A = tpu.sem_alloc : memref<!tpu.dma_semaphore, #tpu.memory_space<semaphore_mem>>
      %dma_start3A_199 = arith.constant 0 : i32
      %dma_start3A_200 = tpu.memref_slice %arg6[%mul3A_196, %dma_start3A_199] : memref<8192x16xf32, #tpu.memory_space<hbm>> -> memref<256x16xf32, #tpu.memory_space<hbm>>
      %dma_start3A_201 = arith.constant 0 : i32
      %dma_start3A_202 = tpu.memref_slice %arg6[%mul3A_196, %dma_start3A_201] : memref<8192x16xf32, #tpu.memory_space<hbm>> -> memref<256x16xf32, #tpu.memory_space<hbm>>
      tpu.enqueue_dma source(%arg9 : memref<256x16xf32, #tpu.memory_space<vmem>>) target(%dma_start3A_202 : memref<256x16xf32, #tpu.memory_space<hbm>>) target_semaphore(%run_scoped3A : memref<!tpu.dma_semaphore, #tpu.memory_space<semaphore_mem>>)
      %dma_wait3A_203 = arith.constant 0 : i32
      %dma_wait3A_204 = tpu.memref_slice %arg6[%mul3A_196, %dma_wait3A_203] : memref<8192x16xf32, #tpu.memory_space<hbm>> -> memref<256x16xf32, #tpu.memory_space<hbm>>
      %dma_wait3A_205 = arith.constant 0 : i32
      %dma_wait3A_206 = tpu.memref_slice %arg6[%mul3A_196, %dma_wait3A_205] : memref<8192x16xf32, #tpu.memory_space<hbm>> -> memref<256x16xf32, #tpu.memory_space<hbm>>
      tpu.wait_dma2 semaphore(%run_scoped3A : memref<!tpu.dma_semaphore, #tpu.memory_space<semaphore_mem>>) src(%arg9 : memref<256x16xf32, #tpu.memory_space<vmem>>) dst(%dma_wait3A_206 : memref<256x16xf32, #tpu.memory_space<hbm>>)
      tpu.yield
    }) : () -> ()
    %mul3A_197 = arith.constant 1280 : i32
    %mul3A_198 = arith.muli %add3A, %mul3A_197 : i32
    "tpu.region"() ({
      %run_scoped3A = tpu.sem_alloc : memref<!tpu.dma_semaphore, #tpu.memory_space<semaphore_mem>>
      %dma_start3A_199 = arith.constant 0 : i32
      %dma_start3A_200 = tpu.memref_slice %arg7[%mul3A_198, %dma_start3A_199] : memref<40960x16xf32, #tpu.memory_space<hbm>> -> memref<1280x16xf32, #tpu.memory_space<hbm>>
      %dma_start3A_201 = arith.constant 0 : i32
      %dma_start3A_202 = tpu.memref_slice %arg7[%mul3A_198, %dma_start3A_201] : memref<40960x16xf32, #tpu.memory_space<hbm>> -> memref<1280x16xf32, #tpu.memory_space<hbm>>
      tpu.enqueue_dma source(%arg11 : memref<1280x16xf32, #tpu.memory_space<vmem>>) target(%dma_start3A_202 : memref<1280x16xf32, #tpu.memory_space<hbm>>) target_semaphore(%run_scoped3A : memref<!tpu.dma_semaphore, #tpu.memory_space<semaphore_mem>>)
      %dma_wait3A_203 = arith.constant 0 : i32
      %dma_wait3A_204 = tpu.memref_slice %arg7[%mul3A_198, %dma_wait3A_203] : memref<40960x16xf32, #tpu.memory_space<hbm>> -> memref<1280x16xf32, #tpu.memory_space<hbm>>
      %dma_wait3A_205 = arith.constant 0 : i32
      %dma_wait3A_206 = tpu.memref_slice %arg7[%mul3A_198, %dma_wait3A_205] : memref<40960x16xf32, #tpu.memory_space<hbm>> -> memref<1280x16xf32, #tpu.memory_space<hbm>>
      tpu.wait_dma2 semaphore(%run_scoped3A : memref<!tpu.dma_semaphore, #tpu.memory_space<semaphore_mem>>) src(%arg11 : memref<1280x16xf32, #tpu.memory_space<vmem>>) dst(%dma_wait3A_206 : memref<1280x16xf32, #tpu.memory_space<hbm>>)
      tpu.yield
    }) : () -> ()
    return
  }
}

module attributes {stable_mosaic.version = 14 : i64} {
  func.func @_fused_body(%arg0: i32, %arg1: memref<1024x4096xf32, #tpu.memory_space<vmem>>, %arg2: memref<1024x256xf32, #tpu.memory_space<vmem>>, %arg3: memref<4096x32xf32, #tpu.memory_space<vmem>>, %arg4: memref<4096x160xf32, #tpu.memory_space<vmem>>, %arg5: memref<192x256xf32, #tpu.memory_space<vmem>>, %arg6: memref<1x256xf32, #tpu.memory_space<vmem>>, %arg7: memref<1x256xf32, #tpu.memory_space<vmem>>, %arg8: memref<256x256xf32, #tpu.memory_space<vmem>>, %arg9: memref<1x256xf32, #tpu.memory_space<vmem>>, %arg10: memref<1x256xf32, #tpu.memory_space<vmem>>, %arg11: memref<256x10xf32, #tpu.memory_space<vmem>>, %arg12: memref<1x10xf32, #tpu.memory_space<vmem>>, %arg13: memref<4096x10xf32, #tpu.memory_space<vmem>>, %arg14: memref<4096x256xf32, #tpu.memory_space<vmem>>) attributes {dimension_semantics = [#tpu.dimension_semantics<arbitrary>], iteration_bounds = array<i64: 16>, scalar_prefetch = 0 : i64, scratch_operands = 1 : i64, tpu.core_type = #tpu.core_type<tc>, window_params = [{transform_indices = @transform_0, window_bounds = array<i64: 1024, 4096>}, {transform_indices = @transform_1, window_bounds = array<i64: 1024, 256>}, {pipeline_mode = #tpu.pipeline_mode<synchronous>, transform_indices = @transform_2, window_bounds = array<i64: 4096, 32>}, {pipeline_mode = #tpu.pipeline_mode<synchronous>, transform_indices = @transform_3, window_bounds = array<i64: 4096, 160>}, {pipeline_mode = #tpu.pipeline_mode<synchronous>, transform_indices = @transform_4, window_bounds = array<i64: 192, 256>}, {pipeline_mode = #tpu.pipeline_mode<synchronous>, transform_indices = @transform_5, window_bounds = array<i64: 1, 256>}, {pipeline_mode = #tpu.pipeline_mode<synchronous>, transform_indices = @transform_6, window_bounds = array<i64: 1, 256>}, {pipeline_mode = #tpu.pipeline_mode<synchronous>, transform_indices = @transform_7, window_bounds = array<i64: 256, 256>}, {pipeline_mode = #tpu.pipeline_mode<synchronous>, transform_indices = @transform_8, window_bounds = array<i64: 1, 256>}, {pipeline_mode = #tpu.pipeline_mode<synchronous>, transform_indices = @transform_9, window_bounds = array<i64: 1, 256>}, {pipeline_mode = #tpu.pipeline_mode<synchronous>, transform_indices = @transform_10, window_bounds = array<i64: 256, 10>}, {pipeline_mode = #tpu.pipeline_mode<synchronous>, transform_indices = @transform_11, window_bounds = array<i64: 1, 10>}, {pipeline_mode = #tpu.pipeline_mode<synchronous>, transform_indices = @transform_12, window_bounds = array<i64: 4096, 10>}]} {
    %ne3A = arith.constant 15 : i32
    %ne3A_0 = arith.cmpi ne, %arg0, %ne3A : i32
    %convert_element_type3A = arith.extui %ne3A_0 : i1 to i32
    %cond3A = arith.constant 0 : i32
    %cond3A_1 = arith.cmpi ne, %convert_element_type3A, %cond3A : i32
    scf.if %cond3A_1 {
      %get3A = arith.constant 0 : index
      %get3A_11 = arith.constant 0 : index
      %get3A_12 = vector.load %arg1[%get3A, %get3A_11] : memref<1024x4096xf32, #tpu.memory_space<vmem>>, vector<1024x4096xf32>
      %get3A_13 = arith.constant 0 : index
      %get3A_14 = arith.constant 0 : index
      %get3A_15 = vector.load %arg2[%get3A_13, %get3A_14] : memref<1024x256xf32, #tpu.memory_space<vmem>>, vector<1024x256xf32>
      %dot_general3A = arith.constant dense<0.000000e+00> : vector<4096x256xf32>
      %dot_general3A_16 = tpu.matmul %get3A_12, %get3A_15, %dot_general3A {dimension_numbers = #tpu.dot_dimension_numbers<[0], [0], [1], [1], [0, 1, 1, 1], [], []>, transpose_lhs_hint = false} : vector<1024x4096xf32>, vector<1024x256xf32>, vector<4096x256xf32> -> vector<4096x256xf32>
      %eq3A_17 = arith.constant 0 : i32
      %eq3A_18 = arith.cmpi eq, %arg0, %eq3A_17 : i32
      %convert_element_type3A_19 = arith.extui %eq3A_18 : i1 to i32
      %cond3A_20 = arith.constant 0 : i32
      %cond3A_21 = arith.cmpi ne, %convert_element_type3A_19, %cond3A_20 : i32
      scf.if %cond3A_21 {
        %swap3A = arith.constant 0 : index
        %swap3A_27 = arith.constant 0 : index
        %swap3A_28 = vector.load %arg14[%swap3A, %swap3A_27] : memref<4096x256xf32, #tpu.memory_space<vmem>>, vector<4096x256xf32>
        tpu.vector_store %arg14[%swap3A, %swap3A_27], %dot_general3A_16 {strides = array<i32>} : memref<4096x256xf32, #tpu.memory_space<vmem>>, vector<4096x256xf32>,
      } else {
      }
      %ne3A_22 = arith.constant 0 : i32
      %ne3A_23 = arith.cmpi ne, %arg0, %ne3A_22 : i32
      %convert_element_type3A_24 = arith.extui %ne3A_23 : i1 to i32
      %cond3A_25 = arith.constant 0 : i32
      %cond3A_26 = arith.cmpi ne, %convert_element_type3A_24, %cond3A_25 : i32
      scf.if %cond3A_26 {
        %get3A_27 = arith.constant 0 : index
        %get3A_28 = arith.constant 0 : index
        %get3A_29 = vector.load %arg14[%get3A_27, %get3A_28] : memref<4096x256xf32, #tpu.memory_space<vmem>>, vector<4096x256xf32>
        %add3A = arith.addf %get3A_29, %dot_general3A_16 : vector<4096x256xf32>
        %swap3A = arith.constant 0 : index
        %swap3A_30 = arith.constant 0 : index
        %swap3A_31 = vector.load %arg14[%swap3A, %swap3A_30] : memref<4096x256xf32, #tpu.memory_space<vmem>>, vector<4096x256xf32>
        tpu.vector_store %arg14[%swap3A, %swap3A_30], %add3A {strides = array<i32>} : memref<4096x256xf32, #tpu.memory_space<vmem>>, vector<4096x256xf32>,
      } else {
      }
    } else {
    }
    %eq3A = arith.constant 15 : i32
    %eq3A_2 = arith.cmpi eq, %arg0, %eq3A : i32
    %convert_element_type3A_3 = arith.extui %eq3A_2 : i1 to i32
    %cond3A_4 = arith.constant 0 : i32
    %cond3A_5 = arith.cmpi ne, %convert_element_type3A_3, %cond3A_4 : i32
    scf.if %cond3A_5 {
      %iota3A = tpu.iota {dimensions = array<i32: 0>} : vector<1024x1xi32>
      %lt3A = arith.constant 88 : i32
      %lt3A_11 = vector.broadcast %lt3A : i32 to vector<1024x1xi32>
      %lt3A_12 = arith.cmpi slt, %iota3A, %lt3A_11 : vector<1024x1xi32>
      %get3A = arith.constant 0 : index
      %get3A_13 = arith.constant 0 : index
      %get3A_14 = vector.load %arg1[%get3A, %get3A_13] : memref<1024x4096xf32, #tpu.memory_space<vmem>>, vector<1024x4096xf32>
      %jit3A = arith.constant 0.000000e+00 : f32
      %broadcast_in_dim3A = vector.shape_cast %lt3A_12 : vector<1024x1xi1> to vector<1024x1xi1>
      %broadcast_in_dim3A_15 = vector.broadcast %broadcast_in_dim3A : vector<1024x1xi1> to vector<1024x4096xi1>
      %broadcast_in_dim3A_16 = vector.broadcast %jit3A : f32 to vector<1024x4096xf32>
      %select_n3A = arith.select %broadcast_in_dim3A_15, %get3A_14, %broadcast_in_dim3A_16 : vector<1024x4096xi1>, vector<1024x4096xf32>
      %get3A_17 = arith.constant 0 : index
      %get3A_18 = arith.constant 0 : index
      %get3A_19 = vector.load %arg2[%get3A_17, %get3A_18] : memref<1024x256xf32, #tpu.memory_space<vmem>>, vector<1024x256xf32>
      %jit3A_20 = arith.constant 0.000000e+00 : f32
      %broadcast_in_dim3A_21 = vector.shape_cast %lt3A_12 : vector<1024x1xi1> to vector<1024x1xi1>
      %broadcast_in_dim3A_22 = vector.broadcast %broadcast_in_dim3A_21 : vector<1024x1xi1> to vector<1024x256xi1>
      %broadcast_in_dim3A_23 = vector.broadcast %jit3A_20 : f32 to vector<1024x256xf32>
      %select_n3A_24 = arith.select %broadcast_in_dim3A_22, %get3A_19, %broadcast_in_dim3A_23 : vector<1024x256xi1>, vector<1024x256xf32>
      %dot_general3A = arith.constant dense<0.000000e+00> : vector<4096x256xf32>
      %dot_general3A_25 = tpu.matmul %select_n3A, %select_n3A_24, %dot_general3A {dimension_numbers = #tpu.dot_dimension_numbers<[0], [0], [1], [1], [0, 1, 1, 1], [], []>, transpose_lhs_hint = false} : vector<1024x4096xf32>, vector<1024x256xf32>, vector<4096x256xf32> -> vector<4096x256xf32>
      %eq3A_26 = arith.constant 0 : i32
      %eq3A_27 = arith.cmpi eq, %arg0, %eq3A_26 : i32
      %convert_element_type3A_28 = arith.extui %eq3A_27 : i1 to i32
      %cond3A_29 = arith.constant 0 : i32
      %cond3A_30 = arith.cmpi ne, %convert_element_type3A_28, %cond3A_29 : i32
      scf.if %cond3A_30 {
        %swap3A = arith.constant 0 : index
        %swap3A_36 = arith.constant 0 : index
        %swap3A_37 = vector.load %arg14[%swap3A, %swap3A_36] : memref<4096x256xf32, #tpu.memory_space<vmem>>, vector<4096x256xf32>
        tpu.vector_store %arg14[%swap3A, %swap3A_36], %dot_general3A_25 {strides = array<i32>} : memref<4096x256xf32, #tpu.memory_space<vmem>>, vector<4096x256xf32>,
      } else {
      }
      %ne3A_31 = arith.constant 0 : i32
      %ne3A_32 = arith.cmpi ne, %arg0, %ne3A_31 : i32
      %convert_element_type3A_33 = arith.extui %ne3A_32 : i1 to i32
      %cond3A_34 = arith.constant 0 : i32
      %cond3A_35 = arith.cmpi ne, %convert_element_type3A_33, %cond3A_34 : i32
      scf.if %cond3A_35 {
        %get3A_36 = arith.constant 0 : index
        %get3A_37 = arith.constant 0 : index
        %get3A_38 = vector.load %arg14[%get3A_36, %get3A_37] : memref<4096x256xf32, #tpu.memory_space<vmem>>, vector<4096x256xf32>
        %add3A = arith.addf %get3A_38, %dot_general3A_25 : vector<4096x256xf32>
        %swap3A = arith.constant 0 : index
        %swap3A_39 = arith.constant 0 : index
        %swap3A_40 = vector.load %arg14[%swap3A, %swap3A_39] : memref<4096x256xf32, #tpu.memory_space<vmem>>, vector<4096x256xf32>
        tpu.vector_store %arg14[%swap3A, %swap3A_39], %add3A {strides = array<i32>} : memref<4096x256xf32, #tpu.memory_space<vmem>>, vector<4096x256xf32>,
      } else {
      }
    } else {
    }
    %eq3A_6 = arith.constant 15 : i32
    %eq3A_7 = arith.cmpi eq, %arg0, %eq3A_6 : i32
    %convert_element_type3A_8 = arith.extui %eq3A_7 : i1 to i32
    %cond3A_9 = arith.constant 0 : i32
    %cond3A_10 = arith.cmpi ne, %convert_element_type3A_8, %cond3A_9 : i32
    scf.if %cond3A_10 {
      %get3A = arith.constant 0 : index
      %get3A_11 = arith.constant 0 : index
      %get3A_12 = vector.load %arg14[%get3A, %get3A_11] : memref<4096x256xf32, #tpu.memory_space<vmem>>, vector<4096x256xf32>
      %get3A_13 = arith.constant 0 : index
      %get3A_14 = arith.constant 0 : index
      %get3A_15 = vector.load %arg3[%get3A_13, %get3A_14] : memref<4096x32xf32, #tpu.memory_space<vmem>>, vector<4096x32xf32>
      %get3A_16 = arith.constant 0 : index
      %get3A_17 = arith.constant 0 : index
      %get3A_18 = vector.load %arg5[%get3A_16, %get3A_17] : memref<192x256xf32, #tpu.memory_space<vmem>>, vector<32x256xf32>
      %dot_general3A = arith.constant dense<0.000000e+00> : vector<4096x256xf32>
      %dot_general3A_19 = tpu.matmul %get3A_15, %get3A_18, %dot_general3A {dimension_numbers = #tpu.dot_dimension_numbers<[1], [0], [0], [1], [0, 0, 1, 1], [], []>, transpose_lhs_hint = false} : vector<4096x32xf32>, vector<32x256xf32>, vector<4096x256xf32> -> vector<4096x256xf32>
      %add3A = arith.addf %get3A_12, %dot_general3A_19 : vector<4096x256xf32>
      %get3A_20 = arith.constant 0 : index
      %get3A_21 = arith.constant 0 : index
      %get3A_22 = vector.load %arg4[%get3A_20, %get3A_21] : memref<4096x160xf32, #tpu.memory_space<vmem>>, vector<4096x160xf32>
      %get3A_23 = arith.constant 32 : index
      %get3A_24 = arith.constant 0 : index
      %get3A_25 = vector.load %arg5[%get3A_23, %get3A_24] : memref<192x256xf32, #tpu.memory_space<vmem>>, vector<160x256xf32>
      %dot_general3A_26 = arith.constant dense<0.000000e+00> : vector<4096x256xf32>
      %dot_general3A_27 = tpu.matmul %get3A_22, %get3A_25, %dot_general3A_26 {dimension_numbers = #tpu.dot_dimension_numbers<[1], [0], [0], [1], [0, 0, 1, 1], [], []>, transpose_lhs_hint = false} : vector<4096x160xf32>, vector<160x256xf32>, vector<4096x256xf32> -> vector<4096x256xf32>
      %add3A_28 = arith.addf %add3A, %dot_general3A_27 : vector<4096x256xf32>
      %reduce_sum3A = arith.constant dense<0.000000e+00> : vector<256xf32>
      %reduce_sum3A_29 = vector.multi_reduction <add>, %add3A_28, %reduce_sum3A [0] : vector<4096x256xf32> to vector<256xf32>
      %broadcast_in_dim3A = vector.shape_cast %reduce_sum3A_29 : vector<256xf32> to vector<1x256xf32>
      %div3A = arith.constant 4.096000e+03 : f32
      %div3A_30 = vector.broadcast %div3A : f32 to vector<1x256xf32>
      %div3A_31 = arith.divf %broadcast_in_dim3A, %div3A_30 : vector<1x256xf32>
      %sub3A = vector.broadcast %div3A_31 : vector<1x256xf32> to vector<4096x256xf32>
      %sub3A_32 = arith.subf %add3A_28, %sub3A : vector<4096x256xf32>
      %sub3A_33 = vector.broadcast %div3A_31 : vector<1x256xf32> to vector<4096x256xf32>
      %sub3A_34 = arith.subf %add3A_28, %sub3A_33 : vector<4096x256xf32>
      %mul3A = arith.mulf %sub3A_32, %sub3A_34 : vector<4096x256xf32>
      %reduce_sum3A_35 = arith.constant dense<0.000000e+00> : vector<256xf32>
      %reduce_sum3A_36 = vector.multi_reduction <add>, %mul3A, %reduce_sum3A_35 [0] : vector<4096x256xf32> to vector<256xf32>
      %broadcast_in_dim3A_37 = vector.shape_cast %reduce_sum3A_36 : vector<256xf32> to vector<1x256xf32>
      %div3A_38 = arith.constant 4.096000e+03 : f32
      %div3A_39 = vector.broadcast %div3A_38 : f32 to vector<1x256xf32>
      %div3A_40 = arith.divf %broadcast_in_dim3A_37, %div3A_39 : vector<1x256xf32>
      %sub3A_41 = vector.broadcast %div3A_31 : vector<1x256xf32> to vector<4096x256xf32>
      %sub3A_42 = arith.subf %add3A_28, %sub3A_41 : vector<4096x256xf32>
      %add3A_43 = arith.constant 9.99999974E-6 : f32
      %add3A_44 = vector.broadcast %add3A_43 : f32 to vector<1x256xf32>
      %add3A_45 = arith.addf %div3A_40, %add3A_44 : vector<1x256xf32>
      %rsqrt3A = math.rsqrt %add3A_45 : vector<1x256xf32>
      %mul3A_46 = vector.broadcast %rsqrt3A : vector<1x256xf32> to vector<4096x256xf32>
      %mul3A_47 = arith.mulf %sub3A_42, %mul3A_46 : vector<4096x256xf32>
      %get3A_48 = arith.constant 0 : index
      %get3A_49 = arith.constant 0 : index
      %get3A_50 = vector.load %arg6[%get3A_48, %get3A_49] : memref<1x256xf32, #tpu.memory_space<vmem>>, vector<1x256xf32>
      %mul3A_51 = vector.broadcast %get3A_50 : vector<1x256xf32> to vector<4096x256xf32>
      %mul3A_52 = arith.mulf %mul3A_47, %mul3A_51 : vector<4096x256xf32>
      %get3A_53 = arith.constant 0 : index
      %get3A_54 = arith.constant 0 : index
      %get3A_55 = vector.load %arg7[%get3A_53, %get3A_54] : memref<1x256xf32, #tpu.memory_space<vmem>>, vector<1x256xf32>
      %add3A_56 = vector.broadcast %get3A_55 : vector<1x256xf32> to vector<4096x256xf32>
      %add3A_57 = arith.addf %mul3A_52, %add3A_56 : vector<4096x256xf32>
      %max3A = arith.constant 0.000000e+00 : f32
      %max3A_58 = vector.broadcast %max3A : f32 to vector<4096x256xf32>
      %max3A_59 = arith.maximumf %add3A_57, %max3A_58 : vector<4096x256xf32>
      %get3A_60 = arith.constant 0 : index
      %get3A_61 = arith.constant 0 : index
      %get3A_62 = vector.load %arg8[%get3A_60, %get3A_61] : memref<256x256xf32, #tpu.memory_space<vmem>>, vector<256x256xf32>
      %dot_general3A_63 = arith.constant dense<0.000000e+00> : vector<4096x256xf32>
      %dot_general3A_64 = tpu.matmul %max3A_59, %get3A_62, %dot_general3A_63 {dimension_numbers = #tpu.dot_dimension_numbers<[1], [0], [0], [1], [0, 0, 1, 1], [], []>, transpose_lhs_hint = false} : vector<4096x256xf32>, vector<256x256xf32>, vector<4096x256xf32> -> vector<4096x256xf32>
      %reduce_sum3A_65 = arith.constant dense<0.000000e+00> : vector<256xf32>
      %reduce_sum3A_66 = vector.multi_reduction <add>, %dot_general3A_64, %reduce_sum3A_65 [0] : vector<4096x256xf32> to vector<256xf32>
      %broadcast_in_dim3A_67 = vector.shape_cast %reduce_sum3A_66 : vector<256xf32> to vector<1x256xf32>
      %div3A_68 = arith.constant 4.096000e+03 : f32
      %div3A_69 = vector.broadcast %div3A_68 : f32 to vector<1x256xf32>
      %div3A_70 = arith.divf %broadcast_in_dim3A_67, %div3A_69 : vector<1x256xf32>
      %sub3A_71 = vector.broadcast %div3A_70 : vector<1x256xf32> to vector<4096x256xf32>
      %sub3A_72 = arith.subf %dot_general3A_64, %sub3A_71 : vector<4096x256xf32>
      %sub3A_73 = vector.broadcast %div3A_70 : vector<1x256xf32> to vector<4096x256xf32>
      %sub3A_74 = arith.subf %dot_general3A_64, %sub3A_73 : vector<4096x256xf32>
      %mul3A_75 = arith.mulf %sub3A_72, %sub3A_74 : vector<4096x256xf32>
      %reduce_sum3A_76 = arith.constant dense<0.000000e+00> : vector<256xf32>
      %reduce_sum3A_77 = vector.multi_reduction <add>, %mul3A_75, %reduce_sum3A_76 [0] : vector<4096x256xf32> to vector<256xf32>
      %broadcast_in_dim3A_78 = vector.shape_cast %reduce_sum3A_77 : vector<256xf32> to vector<1x256xf32>
      %div3A_79 = arith.constant 4.096000e+03 : f32
      %div3A_80 = vector.broadcast %div3A_79 : f32 to vector<1x256xf32>
      %div3A_81 = arith.divf %broadcast_in_dim3A_78, %div3A_80 : vector<1x256xf32>
      %sub3A_82 = vector.broadcast %div3A_70 : vector<1x256xf32> to vector<4096x256xf32>
      %sub3A_83 = arith.subf %dot_general3A_64, %sub3A_82 : vector<4096x256xf32>
      %add3A_84 = arith.constant 9.99999974E-6 : f32
      %add3A_85 = vector.broadcast %add3A_84 : f32 to vector<1x256xf32>
      %add3A_86 = arith.addf %div3A_81, %add3A_85 : vector<1x256xf32>
      %rsqrt3A_87 = math.rsqrt %add3A_86 : vector<1x256xf32>
      %mul3A_88 = vector.broadcast %rsqrt3A_87 : vector<1x256xf32> to vector<4096x256xf32>
      %mul3A_89 = arith.mulf %sub3A_83, %mul3A_88 : vector<4096x256xf32>
      %get3A_90 = arith.constant 0 : index
      %get3A_91 = arith.constant 0 : index
      %get3A_92 = vector.load %arg9[%get3A_90, %get3A_91] : memref<1x256xf32, #tpu.memory_space<vmem>>, vector<1x256xf32>
      %mul3A_93 = vector.broadcast %get3A_92 : vector<1x256xf32> to vector<4096x256xf32>
      %mul3A_94 = arith.mulf %mul3A_89, %mul3A_93 : vector<4096x256xf32>
      %get3A_95 = arith.constant 0 : index
      %get3A_96 = arith.constant 0 : index
      %get3A_97 = vector.load %arg10[%get3A_95, %get3A_96] : memref<1x256xf32, #tpu.memory_space<vmem>>, vector<1x256xf32>
      %add3A_98 = vector.broadcast %get3A_97 : vector<1x256xf32> to vector<4096x256xf32>
      %add3A_99 = arith.addf %mul3A_94, %add3A_98 : vector<4096x256xf32>
      %max3A_100 = arith.constant 0.000000e+00 : f32
      %max3A_101 = vector.broadcast %max3A_100 : f32 to vector<4096x256xf32>
      %max3A_102 = arith.maximumf %add3A_99, %max3A_101 : vector<4096x256xf32>
      %get3A_103 = arith.constant 0 : index
      %get3A_104 = arith.constant 0 : index
      %get3A_105 = vector.load %arg11[%get3A_103, %get3A_104] : memref<256x10xf32, #tpu.memory_space<vmem>>, vector<256x10xf32>
      %dot_general3A_106 = arith.constant dense<0.000000e+00> : vector<4096x10xf32>
      %dot_general3A_107 = tpu.matmul %max3A_102, %get3A_105, %dot_general3A_106 {dimension_numbers = #tpu.dot_dimension_numbers<[1], [0], [0], [1], [0, 0, 1, 1], [], []>, transpose_lhs_hint = false} : vector<4096x256xf32>, vector<256x10xf32>, vector<4096x10xf32> -> vector<4096x10xf32>
      %get3A_108 = arith.constant 0 : index
      %get3A_109 = arith.constant 0 : index
      %get3A_110 = vector.load %arg12[%get3A_108, %get3A_109] : memref<1x10xf32, #tpu.memory_space<vmem>>, vector<1x10xf32>
      %add3A_111 = vector.broadcast %get3A_110 : vector<1x10xf32> to vector<4096x10xf32>
      %add3A_112 = arith.addf %dot_general3A_107, %add3A_111 : vector<4096x10xf32>
      %swap3A = arith.constant 0 : index
      %swap3A_113 = arith.constant 0 : index
      %swap3A_114 = vector.load %arg13[%swap3A, %swap3A_113] : memref<4096x10xf32, #tpu.memory_space<vmem>>, vector<4096x10xf32>
      tpu.vector_store %arg13[%swap3A, %swap3A_113], %add3A_112 {strides = array<i32>} : memref<4096x10xf32, #tpu.memory_space<vmem>>, vector<4096x10xf32>,
    } else {
    }
    return
  }
  func.func @transform_0(%arg0: i32) -> (i32, i32) {
    %c0_i32 = arith.constant 0 : i32
    %c0_i32_0 = arith.constant 0 : i32
    return %arg0, %c0_i32 : i32, i32
  }
  func.func @transform_1(%arg0: i32) -> (i32, i32) {
    %c0_i32 = arith.constant 0 : i32
    %c0_i32_0 = arith.constant 0 : i32
    return %arg0, %c0_i32 : i32, i32
  }
  func.func @transform_2(%arg0: i32) -> (i32, i32) {
    %c0_i32 = arith.constant 0 : i32
    %c0_i32_0 = arith.constant 0 : i32
    %c0_i32_1 = arith.constant 0 : i32
    return %c0_i32, %c0_i32_0 : i32, i32
  }
  func.func @transform_3(%arg0: i32) -> (i32, i32) {
    %c0_i32 = arith.constant 0 : i32
    %c0_i32_0 = arith.constant 0 : i32
    %c0_i32_1 = arith.constant 0 : i32
    return %c0_i32, %c0_i32_0 : i32, i32
  }
  func.func @transform_4(%arg0: i32) -> (i32, i32) {
    %c0_i32 = arith.constant 0 : i32
    %c0_i32_0 = arith.constant 0 : i32
    %c0_i32_1 = arith.constant 0 : i32
    return %c0_i32, %c0_i32_0 : i32, i32
  }
  func.func @transform_5(%arg0: i32) -> (i32, i32) {
    %c0_i32 = arith.constant 0 : i32
    %c0_i32_0 = arith.constant 0 : i32
    %c0_i32_1 = arith.constant 0 : i32
    return %c0_i32, %c0_i32_0 : i32, i32
  }
  func.func @transform_6(%arg0: i32) -> (i32, i32) {
    %c0_i32 = arith.constant 0 : i32
    %c0_i32_0 = arith.constant 0 : i32
    %c0_i32_1 = arith.constant 0 : i32
    return %c0_i32, %c0_i32_0 : i32, i32
  }
  func.func @transform_7(%arg0: i32) -> (i32, i32) {
    %c0_i32 = arith.constant 0 : i32
    %c0_i32_0 = arith.constant 0 : i32
    %c0_i32_1 = arith.constant 0 : i32
    return %c0_i32, %c0_i32_0 : i32, i32
  }
  func.func @transform_8(%arg0: i32) -> (i32, i32) {
    %c0_i32 = arith.constant 0 : i32
    %c0_i32_0 = arith.constant 0 : i32
    %c0_i32_1 = arith.constant 0 : i32
    return %c0_i32, %c0_i32_0 : i32, i32
  }
  func.func @transform_9(%arg0: i32) -> (i32, i32) {
    %c0_i32 = arith.constant 0 : i32
    %c0_i32_0 = arith.constant 0 : i32
    %c0_i32_1 = arith.constant 0 : i32
    return %c0_i32, %c0_i32_0 : i32, i32
  }
  func.func @transform_10(%arg0: i32) -> (i32, i32) {
    %c0_i32 = arith.constant 0 : i32
    %c0_i32_0 = arith.constant 0 : i32
    %c0_i32_1 = arith.constant 0 : i32
    return %c0_i32, %c0_i32_0 : i32, i32
  }
  func.func @transform_11(%arg0: i32) -> (i32, i32) {
    %c0_i32 = arith.constant 0 : i32
    %c0_i32_0 = arith.constant 0 : i32
    %c0_i32_1 = arith.constant 0 : i32
    return %c0_i32, %c0_i32_0 : i32, i32
  }
  func.func @transform_12(%arg0: i32) -> (i32, i32) {
    %c0_i32 = arith.constant 0 : i32
    %c0_i32_0 = arith.constant 0 : i32
    %c0_i32_1 = arith.constant 0 : i32
    return %c0_i32, %c0_i32_0 : i32, i32
  }
}

</mosaic_0001>

<sc_bundles>
// kernel: kernel.4.cloned.1.call-start
scs
__scs_entry_jumppad:
0x0: {  	(pc) =	sbr.rel $0x88, $3  }
0x1: {  	(tag) =	ssettag $0x0;
	lr =	simm.s32 $0x1  }
0x2: {  	[smem:$0x3F94] =	sst lr;
	_ =	strace $0xD0000000  }
0x3: {  	_ = 	snop  }
0x4: {  	_ = 	snop  }
0x5: {  	_ = 	snop  }
0x6: {  	_ = 	snop  }
0x7: {  	_ = 	snop  }
__scs_overlays_trampoline_lowered:
0x8: {  	[smem:$0x3FA3] =	sst s0  }
0x9: {  	[smem:$0x3FA4] =	sst s1  }
0xa: {  	[smem:$0x3FA5] =	sst s2  }
0xb: {  	[smem:$0x3FA6] =	sst s3  }
0xc: {  	[smem:$0x3FA7] =	sst s4  }
0xd: {  	[smem:$0x3FA8] =	sst s5  }
0xe: {  	[smem:$0x3FA9] =	sst s6  }
0xf: {  	[smem:$0x3FAA] =	sst s7  }
0x10: {  	[smem:$0x3FAB] =	sst s8  }
0x11: {  	[smem:$0x3FAC] =	sst s9;
	s0 =	simm.s32 @!p0 $0x0  }
0x12: {  	s1 =	sld [smem:$0x3F92];
	s0 =	simm.s32 @p0 $0x1  }
0x13: {  	[smem:$0x3FAD] =	sst s0;
	s0 =	simm.s32 @!p1 $0x0  }
0x14: {  	s2 =	sld [smem:$0x3F91];
	s0 =	simm.s32 @p1 $0x1  }
0x15: {  	[smem:$0x3FAE] =	sst s0;
	s0 =	simm.s32 @!p2 $0x0  }
0x16: {  	s3 =	sld [smem:$0x3FDB];
	s0 =	simm.s32 @p2 $0x1  }
0x17: {  	s4 =	simm.s32 $0x1BF5;
	[smem:$0x3FB0] =	sst s0  }
0x18: {  	s0 =	sld [smem:$0x3F93];
	_ =	swait.ge [sflag:s4], $0x0  }
0x19: {  	s7 =	sld [smem:$0x3F94]  }
0x1a: {  	s8 =	sadd.s32 $0xFFFFE003, lr  }
0x1b: {  	s9 =	sadd.s32 $0xFFFFFEF7, lr;
	s5 =	simm.s32 $0xFFFFFFFF;
	p2 =	slt.u32 s8, $0xFFFFF086  }
0x1c: {  	p1 =	slt.u32 s9, $0xF7A;
	s5 =	simm.s32 @!p2 $0x0  }
0x1d: {  	s5 =	simm.s32 @p1 $0x1;
	p0 =	seq.s32 s7, s2  }
0x1e: {  	s7 =	smul.u32 @!p0 $0xF7A, s2;
	p2 =	seq.s32 @!p0 s5, $0x0  }
0x1f: {  	s9 =	smul.u32 $0xF7A, s1;
	s8 =	simm.s32 @!p0 $0x1BF5;
	p2 =	por !p2, p0  }
0x20: {  	[sflag:s8] =	ssyncset.s32 @!p0 $0xFFFFF086;
	s6 =	sadd.s32 @!p0 s3, s7;
	s7 =	simm.s32 @!p0 $0x108  }
0x21: {  	s3 =	sadd.s32 s3, s9;
	s6 =	sadd.s32 @!p0 $0x88, s6;
	s7 =	simm.s32 @p2 $0x1082  }
0x22: {  	[simem:s7], [sflag:s8] =	dma.local @!p0 [hbm:s6], $0xF7A  }
0x23: {  	s9 =	sor.u32 $0xD0000000, s2;
	s6 =	simm.s32 $0x108;
	_ =	swait.ge @!p0 [sflag:s8], $0x0  }
0x24: {  	s3 =	sadd.s32 $0x88, s3;
	s6 =	simm.s32 @!p1 $0x1082;
	[sflag:s4] =	ssyncset.s32 $0xFFFFF086  }
0x25: {  	[simem:s6], [sflag:s4] =	dma.local [hbm:s3], $0xF7A  }
0x26: {  	[smem:$0x3F94] =	sst s1;
	(tag) =	ssettag s2;
	_ =	strace s9  }
0x27: {  	s1 =	sld [smem:$0x3FA4]  }
0x28: {  	s2 =	sld [smem:$0x3FA5]  }
0x29: {  	s4 =	sld [smem:$0x3FA7]  }
0x2a: {  	p0 =	seq.s32 s5, $0x0;
	s5 =	sld [smem:$0x3FA8]  }
0x2b: {  	s6 =	sld [smem:$0x3FA9]  }
0x2c: {  	s7 =	sld [smem:$0x3FAA]  }
0x2d: {  	s3 =	simm.s32 $0x108;
	s8 =	sld [smem:$0x3FAB]  }
0x2e: {  	s3 =	simm.s32 @!p0 $0x1082;
	s9 =	sld [smem:$0x3FAC]  }
0x2f: {  	lr =	sadd.s32 s0, s3;
	s0 =	sld [smem:$0x3FA3]  }
0x30: {  	s3 =	sld [smem:$0x3FA6]  }
0x31: {  	[smem:$0x3FAF] =	sst s10  }
0x32: {  	s10 =	sld [smem:$0x3FAD];
	_ =	sdelay $0x3  }
0x33: {  	p0 =	seq.s32 s10, $0x1;
	s10 =	sld [smem:$0x3FAF];
	_ =	sdelay $0x3  }
0x34: {  	[smem:$0x3FAF] =	sst s10  }
0x35: {  	s10 =	sld [smem:$0x3FAE];
	_ =	sdelay $0x3  }
0x36: {  	p1 =	seq.s32 s10, $0x1;
	s10 =	sld [smem:$0x3FAF];
	_ =	sdelay $0x3  }
0x37: {  	[smem:$0x3FAF] =	sst s10  }
0x38: {  	s10 =	sld [smem:$0x3FB0]  }
0x39: {  	_ = 	snop;
	(pc) =	sbr.ind lr, $3  }
0x3a: {  	_ = 	snop  }
0x3b: {  	_ = 	snop  }
0x3c: {  	p2 =	seq.s32 s10, $0x1;
	s10 =	sld [smem:$0x3FAF]  }
0x3d: {  	_ =	shalt  }
0x3e: {  	_ =	shalt  }
0x3f: {  	_ =	shalt  }
0x40: {  	_ =	shalt  }
0x41: {  	_ =	shalt  }
0x42: {  	_ =	shalt  }
0x43: {  	_ =	shalt  }
0x44: {  	_ =	shalt  }
0x45: {  	_ =	shalt  }
0x46: {  	_ =	shalt  }
0x47: {  	_ =	shalt  }
0x48: {  	_ =	shalt  }
0x49: {  	_ =	shalt  }
0x4a: {  	_ =	shalt  }
0x4b: {  	_ =	shalt  }
0x4c: {  	_ =	shalt  }
0x4d: {  	_ =	shalt  }
0x4e: {  	_ =	shalt  }
0x4f: {  	_ =	shalt  }
0x50: {  	_ =	shalt  }
0x51: {  	_ =	shalt  }
0x52: {  	_ =	shalt  }
0x53: {  	_ =	shalt  }
0x54: {  	_ =	shalt  }
0x55: {  	_ =	shalt  }
0x56: {  	_ =	shalt  }
0x57: {  	_ =	shalt  }
0x58: {  	_ =	shalt  }
0x59: {  	_ =	shalt  }
0x5a: {  	_ =	shalt  }
0x5b: {  	_ =	shalt  }
0x5c: {  	_ =	shalt  }
0x5d: {  	_ =	shalt  }
0x5e: {  	_ =	shalt  }
0x5f: {  	_ =	shalt  }
0x60: {  	_ =	shalt  }
0x61: {  	_ =	shalt  }
0x62: {  	_ =	shalt  }
0x63: {  	_ =	shalt  }
0x64: {  	_ =	shalt  }
0x65: {  	_ =	shalt  }
0x66: {  	_ =	shalt  }
0x67: {  	_ =	shalt  }
0x68: {  	_ =	shalt  }
0x69: {  	_ =	shalt  }
0x6a: {  	_ =	shalt  }
0x6b: {  	_ =	shalt  }
0x6c: {  	_ =	shalt  }
0x6d: {  	_ =	shalt  }
0x6e: {  	_ =	shalt  }
0x6f: {  	_ =	shalt  }
0x70: {  	_ =	shalt  }
0x71: {  	_ =	shalt  }
0x72: {  	_ =	shalt  }
0x73: {  	_ =	shalt  }
0x74: {  	_ =	shalt  }
0x75: {  	_ =	shalt  }
0x76: {  	_ =	shalt  }
0x77: {  	_ =	shalt  }
0x78: {  	_ =	shalt  }
0x79: {  	_ =	shalt  }
0x7a: {  	_ =	shalt  }
0x7b: {  	_ =	shalt  }
0x7c: {  	_ =	shalt  }
0x7d: {  	_ =	shalt  }
0x7e: {  	_ =	shalt  }
0x7f: {  	_ =	shalt  }
0x80: {  	_ =	shalt  }
0x81: {  	_ =	shalt  }
0x82: {  	_ =	shalt  }
0x83: {  	_ =	shalt  }
0x84: {  	_ =	shalt  }
0x85: {  	_ =	shalt  }
0x86: {  	_ =	shalt  }
0x87: {  	_ =	shalt  }
.Lfunc_end0:
.L_simem_size_0:
called_computation_lowered:
.L_overlay_start_0:
0x88: {  	s2 =	sld [smem:$0x3FD9]  }
0x89: {  	s3 =	sld [smem:$0x3FFE];
	_ =	sdelay $0x1  }
0x8a: {  	s1 =	srdreg.scid  }
0x8b: {  	s0 =	sand.u32 $0x1, s1  }
0x8c: {  	s16 =	sshll.u32 s0, $0xA;
	s2 =	sadd.s32 s3, s2  }
0x8d: {  	s2 =	sadd.s32 s2, s16  }
0x8e: {  	[smem:$0x3FBB] =	sst s2  }
0x8f: {  	_ = 	snop  }
0x90: {  	(tm) =	ssettm $0x1  }
0x91: {  	s17 =	sld [smem:$0x3FFB];
	_ =	sdelay $0x3  }
0x92: {  	_ =	strace s17  }
0x93: {  	s2 =	sld [smem:$0x3FFC];
	_ =	sdelay $0x3  }
0x94: {  	_ =	strace s2  }
0x95: {  	s2 =	sld [smem:$0x3FFD];
	_ =	sdelay $0x3  }
0x96: {  	_ =	strace s2  }
0x97: {  	_ =	strace $0x8FFFFFFF  }
0x98: {  	s18 =	sld [smem:$0x3FDB];
	_ =	sdelay $0x1  }
0x99: {  	s19 =	simm.s32 $_scs_section_size  }
0x9a: {  	s4 =	simm.s32 $_size__tile_overlayer_lowered;
	s5 =	simm.s32 $_tile_overlayer_lowered  }
0x9b: {  	s22 =	simm.s32 $0x1BFF;
	s21 =	sshll.u32 s5, $0x1;
	s2 =	sadd.s32 s19, s18  }
0x9c: {  	s6 =	simm.s32 $0x0;
	s20 =	sshll.u32 s4, $0x1;
	s4 =	sadd.s32 s21, s2  }
0x9d: {  	[timem:s6], [sflag:s22] =	dma.local [hbm:s4], s20  }
0x9e: {  	_ =	swait.ge [sflag:s22], s20  }
0x9f: {  	s3 =	ssub.s32 $0x0, s20;
	[sflag:s22] =	ssyncset.done $0x0  }
0xa0: {  	[sflag:s22] =	ssyncadd.s32 s3;
	_ =	sdelay $0x1  }
0xa1: {  	s23 =	simm.s32 $0x1B8B  }
0xa2: {  	_ =	swait.ge [sflag:s23], $0x1  }
0xa3: {  	[sflag:s23] =	ssyncset.done $0x0  }
0xa4: {  	s25 =	simm.s32 $0x1B8E;
	s24 =	sld [smem:$0x3FFE];
	[sflag:s23] =	ssyncadd.s32 $0xFFFFFFFF  }
0xa5: {  	s26 =	simm.s32 $execute0_lowered;
	[smem:$0x3FD2] =	sst s25  }
0xa6: {  	s4 =	sshll.u32 s26, $0x1;
	_ =	strace $0x80000046;
	[dreg:$0x1] =	wrdreg $0xFFFFFFFF  }
0xa7: {  	s28 =	simm.s32 $_size_execute0_lowered;
	s2 =	sadd.s32 s2, s4;
	[dreg:$0x0] =	wrdreg $0x0  }
0xa8: {  	s4 =	sshll.u32 s28, $0x1;
	[dreg:$0x2] =	wrdreg s2  }
0xa9: {  	[dreg:$0x3] =	wrdreg s4  }
0xaa: {  	[dreg:$0x4] =	wrdreg $0xC0  }
0xab: {  	_ =	task [dreg:s6], $0x5FFFF  }
0xac: {  	[dreg:$0x1] =	wrdreg $0xFFFFFFFF  }
0xad: {  	[dreg:$0x0] =	wrdreg $0x60  }
0xae: {  	[dreg:$0x2] =	wrdreg s24  }
0xaf: {  	[dreg:$0x3] =	wrdreg $0x9  }
0xb0: {  	_ =	task.clear_ibuf [dreg:s6], $0x4FFFF;
	_ =	strace $0x90000046  }
0xb1: {  	s29 =	simm.s32 $0x9;
	_ =	strace $0x80000048  }
0xb2: {  	_ =	swait.ge [sflag:s29], $0x1  }
0xb3: {  	[sflag:s29] =	ssyncadd.s32 $0xFFFFFFFF  }
0xb4: {  	_ =	strace $0x90000048  }
0xb5: {  	_ =	sfence  }
0xb6: {  	s30 =	sld [smem:$0x0];
	_ =	sdelay $0x2  }
0xb7: {  	s31 =	sshll.u32 s1, $0xD;
	s1 =	sshrl.u32 s1, $0x2  }
0xb8: {  	s3 =	sand.u32 $0x4000, s31;
	s1 =	sadd.s32 s1, s30  }
0xb9: {  	s0 =	sor.u32 s3, s0;
	s1 =	sshll.u32 s1, $0x11  }
0xba: {  	s0 =	sor.u32 s1, s0  }
0xbb: {  	s0 =	sadd.s32 $0x8F2B, s0  }
0xbc: {  	[sflag:s0] =	ssyncadd.remote.s32 $0x1  }
0xbd: {  	_ =	sfence.sel $0xFFFF  }
0xbe: {  	[dreg:$0x0] =	wrdreg $0xFFFFFFFF;
	(pc) =	sbr.abs _section_cstart, $3  }
0xbf: {  	[dreg:$0x1] =	wrdreg $0xFFFFFFFF  }
0xc0: {  	_ =	task.clear_ibuf [dreg:s6], $0x2FFFF;
	_ =	strace $0x9FFFFFFF  }
0xc1: {  	(tm) =	ssettm $0x7FFFFFFF  }
tec
execute0_lowered:
.L_overlay_start_1:
0x0: {  	(tag) =	ssettag $0x1  }
0x1: {  	s0 =	rddreg [dreg:$0x0]  }
0x2: {  	s1 =	srdreg.scid;
	s3 =	stileid.u32  }
0x3: {  	s2 =	simm.s32 $0x0;
	s11 =	simm.s32 $0x1100;
	s10 =	simm.s32 $0x80  }
0x4: {  	s12 =	simm.s32 $0x900;
	s13 =	simm.s32 $0x1180;
	s14 =	simm.s32 $0x1E00  }
0x5: {  	s15 =	simm.s32 $0x1200;
	s16 =	simm.s32 $0x2600;
	s17 =	simm.s32 $0x1280  }
0x6: {  	s18 =	simm.s32 $0x2E00;
	s19 =	simm.s32 $0x1300;
	s20 =	simm.s32 $0x3600  }
0x7: {  	s21 =	simm.s32 $0x1380;
	s22 =	simm.s32 $0x3E00;
	s23 =	simm.s32 $0x1400  }
0x8: {  	p0 =	por $0x0, $0x0;
	s28 =	simm.s32 $0x1500;
	s29 =	simm.s32 $0x5600  }
0x9: {  	s30 =	simm.s32 $0x1580;
	s31 =	simm.s32 $0x5E00;
	s8 =	simm.s32 $0x1  }
0xa: {  	s1 =	sand.u32 $0x1, s1;
	s3 =	sshll.u32 s3, $0x1;
	[smem:$0x7FF] =	sst s2  }
0xb: {  	s9 =	sadd.s32 $0x112C800, s0;
	s7 =	sadd.s32 $0xF44200, s0;
	s3 =	sor.u32 s1, s3  }
0xc: {  	_ =	strace $0x80000047;
	s1 =	ssub.s32 $0x2, s1;
	s5 =	smul.u32 $0xA0, s3  }
0xd: {  	s4 =	sshll.u32 s3, $0x5;
	s6 =	smul.u32 $0xA00, s3;
	s25 =	sshrl.u32 s1, $0x1  }
0xe: {  	s3 =	sshll.u32 s3, $0x9;
	s4 =	sadd.s32 s4, s0;
	s1 =	ssub.s32 s1, s25  }
0xf: {  	s3 =	sadd.s32 s3, s0;
	s25 =	simm.s32 $0x1480;
	s26 =	smax.u32 s1, $0x1  }
0x10: {  	s5 =	sadd.s32 s5, s0;
	s0 =	sadd.s32 s6, s0;
	p1 =	sne.s32 s26, $0x1  }
.Ltmp0:
0x11: {  	s4 =	sadd.s32 $0x3200, s4;
	s3 =	sadd.s32 $0x17600, s3;
	(pc) =	sbr.rel @!p1 .LBB2_3-.Ltmp0, $4  }
0x12: {  	s6 =	simm.s32 $0x100;
	[dreg:$0x2] =	wrdreg s4;
	s24 =	sadd.s32 $0x1E00, s5  }
0x13: {  	[dreg:$0x4] =	wrdreg s3;
	s4 =	sadd.s32 $0x3600, s0;
	s3 =	simm.s32 $0x2  }
0x14: {  	s5 =	simm.s32 $0x1600;
	s0 =	sadd.s32 $0xFFFFFFFF, s26;
	[dreg:$0x3] =	wrdreg s24  }
0x15: {  	s26 =	simm.s32 $0x4E00;
	s24 =	simm.s32 $0x4600;
	s1 =	rddreg [dreg:$0x2]  }
0x16: {  	[tilespmem:s2], [sflag:$0x2] =	stream.linear.gather [hbm4b:s1+s2], $0x100, $0x38;
	[tilespmem:$0x6600] =	vst v63  }
0x17: {  	_ =	swait.ge [sflag:s3], $0x100  }
0x18: {  	[sflag:s3] =	ssyncset.done $0x0  }
0x19: {  	s1 =	rddreg [dreg:$0x3];
	[sflag:s3] =	ssyncadd.s32 $0xFFFFFF00  }
0x1a: {  	[tilespmem:s11], [sflag:$0x2] =	stream.linear.gather [hbm4b:s1+s2], $0x500, $0x38;
	[tilespmem:$0x6600] =	vst v63  }
0x1b: {  	_ =	swait.ge [sflag:s3], $0x500  }
0x1c: {  	[sflag:s3] =	ssyncset.done $0x0  }
0x1d: {  	[sflag:s3] =	ssyncadd.s32 $0xFFFFFB00  }
0x1e: {  	[tilespmem:s6], [sflag:$0x1] =	stream.indirect.gather [hbm4b:s9+s10], $0x10, s2, s10, $0xb8;
	[tilespmem:$0x6600] =	vst v63  }
0x1f: {  	_ = 	snop  }
0x20: {  	[tilespmem:s12], [sflag:$0x1] =	stream.indirect.gather [hbm4b:s9+s10], $0x10, s10, s10, $0xb8;
	[tilespmem:$0x6600] =	vst v63  }
0x21: {  	_ = 	snop  }
0x22: {  	[tilespmem:s5], [sflag:$0x1] =	stream.indirect.gather [hbm4b:s7+s10], $0x10, s11, s10, $0xb8;
	[tilespmem:$0x6600] =	vst v63  }
0x23: {  	_ = 	snop  }
0x24: {  	[tilespmem:s14], [sflag:$0x1] =	stream.indirect.gather [hbm4b:s7+s10], $0x10, s13, s10, $0xb8;
	[tilespmem:$0x6600] =	vst v63  }
0x25: {  	_ = 	snop  }
0x26: {  	[tilespmem:s16], [sflag:$0x1] =	stream.indirect.gather [hbm4b:s7+s10], $0x10, s15, s10, $0xb8;
	[tilespmem:$0x6600] =	vst v63  }
0x27: {  	_ = 	snop  }
0x28: {  	[tilespmem:s18], [sflag:$0x1] =	stream.indirect.gather [hbm4b:s7+s10], $0x10, s17, s10, $0xb8;
	[tilespmem:$0x6600] =	vst v63  }
0x29: {  	_ = 	snop  }
0x2a: {  	[tilespmem:s20], [sflag:$0x1] =	stream.indirect.gather [hbm4b:s7+s10], $0x10, s19, s10, $0xb8;
	[tilespmem:$0x6600] =	vst v63  }
0x2b: {  	_ = 	snop  }
0x2c: {  	[tilespmem:s22], [sflag:$0x1] =	stream.indirect.gather [hbm4b:s7+s10], $0x10, s21, s10, $0xb8;
	[tilespmem:$0x6600] =	vst v63  }
0x2d: {  	_ = 	snop  }
0x2e: {  	[tilespmem:s24], [sflag:$0x1] =	stream.indirect.gather [hbm4b:s7+s10], $0x10, s23, s10, $0xb8;
	[tilespmem:$0x6600] =	vst v63  }
0x2f: {  	_ = 	snop  }
0x30: {  	[tilespmem:s26], [sflag:$0x1] =	stream.indirect.gather [hbm4b:s7+s10], $0x10, s25, s10, $0xb8;
	[tilespmem:$0x6600] =	vst v63  }
0x31: {  	_ = 	snop  }
0x32: {  	[tilespmem:s29], [sflag:$0x1] =	stream.indirect.gather [hbm4b:s7+s10], $0x10, s28, s10, $0xb8;
	[tilespmem:$0x6600] =	vst v63  }
0x33: {  	_ = 	snop  }
0x34: {  	[tilespmem:s31], [sflag:$0x1] =	stream.indirect.gather [hbm4b:s7+s10], $0x10, s30, s10, $0xb8;
	[tilespmem:$0x6600] =	vst v63  }
0x35: {  	_ =	swait.ge [sflag:s8], $0x800  }
0x36: {  	[sflag:s8] =	ssyncset.done $0x0  }
0x37: {  	[sflag:s8] =	ssyncadd.s32 $0xFFFFF800  }
0x38: {  	_ =	swait.ge [sflag:s8], $0x800  }
0x39: {  	[sflag:s8] =	ssyncset.done $0x0  }
0x3a: {  	[sflag:s8] =	ssyncadd.s32 $0xFFFFF800  }
0x3b: {  	_ =	swait.ge [sflag:s8], $0x800  }
0x3c: {  	[sflag:s8] =	ssyncset.done $0x0  }
0x3d: {  	[sflag:s8] =	ssyncadd.s32 $0xFFFFF800  }
0x3e: {  	_ =	swait.ge [sflag:s8], $0x800  }
0x3f: {  	[sflag:s8] =	ssyncset.done $0x0  }
0x40: {  	[sflag:s8] =	ssyncadd.s32 $0xFFFFF800  }
0x41: {  	_ =	swait.ge [sflag:s8], $0x800  }
0x42: {  	[sflag:s8] =	ssyncset.done $0x0  }
0x43: {  	[sflag:s8] =	ssyncadd.s32 $0xFFFFF800  }
0x44: {  	_ =	swait.ge [sflag:s8], $0x800  }
0x45: {  	[sflag:s8] =	ssyncset.done $0x0  }
0x46: {  	[sflag:s8] =	ssyncadd.s32 $0xFFFFF800  }
0x47: {  	_ =	swait.ge [sflag:s8], $0x800  }
0x48: {  	[sflag:s8] =	ssyncset.done $0x0  }
0x49: {  	[sflag:s8] =	ssyncadd.s32 $0xFFFFF800  }
0x4a: {  	_ =	swait.ge [sflag:s8], $0x800  }
0x4b: {  	[sflag:s8] =	ssyncset.done $0x0  }
0x4c: {  	[sflag:s8] =	ssyncadd.s32 $0xFFFFF800  }
0x4d: {  	_ =	swait.ge [sflag:s8], $0x800  }
0x4e: {  	[sflag:s8] =	ssyncset.done $0x0  }
0x4f: {  	[sflag:s8] =	ssyncadd.s32 $0xFFFFF800  }
0x50: {  	_ =	swait.ge [sflag:s8], $0x800  }
0x51: {  	[sflag:s8] =	ssyncset.done $0x0  }
0x52: {  	[sflag:s8] =	ssyncadd.s32 $0xFFFFF800  }
0x53: {  	_ =	swait.ge [sflag:s8], $0x800  }
0x54: {  	[sflag:s8] =	ssyncset.done $0x0  }
0x55: {  	[sflag:s8] =	ssyncadd.s32 $0xFFFFF800  }
0x56: {  	_ =	swait.ge [sflag:s8], $0x800  }
0x57: {  	[sflag:s8] =	ssyncset.done $0x0  }
0x58: {  	s1 =	rddreg [dreg:$0x4];
	[sflag:s8] =	ssyncadd.s32 $0xFFFFF800  }
0x59: {  	[hbm4b:s1+s2] =	stream.linear.scatter [tilespmem:s6], [sflag:$0x2], $0x1000, $0x38;
	[tilespmem:$0x6600] =	vst v63  }
0x5a: {  	p1 =	sne.s32 s0, $0x1;
	_ =	swait.ge [sflag:s3], $0x1000  }
.Ltmp1:
0x5b: {  	[sflag:s3] =	ssyncset.done $0x0;
	(pc) =	sbr.rel @!p1 .LBB2_3-.Ltmp1, $4  }
0x5c: {  	[sflag:s3] =	ssyncadd.s32 $0xFFFFF000  }
0x5d: {  	[hbm4b:s4+s2] =	stream.linear.scatter [tilespmem:s5], [sflag:$0x2], $0x5000, $0x38;
	[tilespmem:$0x6600] =	vst v63  }
0x5e: {  	s0 =	sadd.s32 $0xFFFFFFFF, s0;
	_ =	swait.ge [sflag:s3], $0x5000  }
0x5f: {  	p0 =	por $0x1, $0x1;
	s1 =	rddreg [dreg:$0x2];
	[sflag:s3] =	ssyncset.done $0x0  }
.LBB2_2:
0x60: {  	[sflag:s3] =	ssyncadd.s32 $0xFFFFB000  }
0x61: {  	[tilespmem:s2], [sflag:$0x2] =	stream.linear.gather [hbm4b:s1+s2], $0x100, $0x38;
	[tilespmem:$0x6600] =	vst v63  }
0x62: {  	_ =	swait.ge [sflag:s3], $0x100  }
0x63: {  	[sflag:s3] =	ssyncset.done $0x0  }
0x64: {  	s1 =	rddreg [dreg:$0x3];
	[sflag:s3] =	ssyncadd.s32 $0xFFFFFF00  }
0x65: {  	[tilespmem:s11], [sflag:$0x2] =	stream.linear.gather [hbm4b:s1+s2], $0x500, $0x38;
	[tilespmem:$0x6600] =	vst v63  }
0x66: {  	_ =	swait.ge [sflag:s3], $0x500  }
0x67: {  	[sflag:s3] =	ssyncset.done $0x0  }
0x68: {  	[sflag:s3] =	ssyncadd.s32 $0xFFFFFB00  }
0x69: {  	[tilespmem:s6], [sflag:$0x1] =	stream.indirect.gather [hbm4b:s9+s10], $0x10, s2, s10, $0xb8;
	[tilespmem:$0x6600] =	vst v63  }
0x6a: {  	_ = 	snop  }
0x6b: {  	[tilespmem:s12], [sflag:$0x1] =	stream.indirect.gather [hbm4b:s9+s10], $0x10, s10, s10, $0xb8;
	[tilespmem:$0x6600] =	vst v63  }
0x6c: {  	_ = 	snop  }
0x6d: {  	[tilespmem:s5], [sflag:$0x1] =	stream.indirect.gather [hbm4b:s7+s10], $0x10, s11, s10, $0xb8;
	[tilespmem:$0x6600] =	vst v63  }
0x6e: {  	_ = 	snop  }
0x6f: {  	[tilespmem:s14], [sflag:$0x1] =	stream.indirect.gather [hbm4b:s7+s10], $0x10, s13, s10, $0xb8;
	[tilespmem:$0x6600] =	vst v63  }
0x70: {  	_ = 	snop  }
0x71: {  	[tilespmem:s16], [sflag:$0x1] =	stream.indirect.gather [hbm4b:s7+s10], $0x10, s15, s10, $0xb8;
	[tilespmem:$0x6600] =	vst v63  }
0x72: {  	_ = 	snop  }
0x73: {  	[tilespmem:s18], [sflag:$0x1] =	stream.indirect.gather [hbm4b:s7+s10], $0x10, s17, s10, $0xb8;
	[tilespmem:$0x6600] =	vst v63  }
0x74: {  	_ = 	snop  }
0x75: {  	[tilespmem:s20], [sflag:$0x1] =	stream.indirect.gather [hbm4b:s7+s10], $0x10, s19, s10, $0xb8;
	[tilespmem:$0x6600] =	vst v63  }
0x76: {  	_ = 	snop  }
0x77: {  	[tilespmem:s22], [sflag:$0x1] =	stream.indirect.gather [hbm4b:s7+s10], $0x10, s21, s10, $0xb8;
	[tilespmem:$0x6600] =	vst v63  }
0x78: {  	_ = 	snop  }
0x79: {  	[tilespmem:s24], [sflag:$0x1] =	stream.indirect.gather [hbm4b:s7+s10], $0x10, s23, s10, $0xb8;
	[tilespmem:$0x6600] =	vst v63  }
0x7a: {  	_ = 	snop  }
0x7b: {  	[tilespmem:s26], [sflag:$0x1] =	stream.indirect.gather [hbm4b:s7+s10], $0x10, s25, s10, $0xb8;
	[tilespmem:$0x6600] =	vst v63  }
0x7c: {  	_ = 	snop  }
0x7d: {  	[tilespmem:s29], [sflag:$0x1] =	stream.indirect.gather [hbm4b:s7+s10], $0x10, s28, s10, $0xb8;
	[tilespmem:$0x6600] =	vst v63  }
0x7e: {  	_ = 	snop  }
0x7f: {  	[tilespmem:s31], [sflag:$0x1] =	stream.indirect.gather [hbm4b:s7+s10], $0x10, s30, s10, $0xb8;
	[tilespmem:$0x6600] =	vst v63  }
0x80: {  	_ =	swait.ge [sflag:s8], $0x800  }
0x81: {  	[sflag:s8] =	ssyncset.done $0x0  }
0x82: {  	[sflag:s8] =	ssyncadd.s32 $0xFFFFF800  }
0x83: {  	_ =	swait.ge [sflag:s8], $0x800  }
0x84: {  	[sflag:s8] =	ssyncset.done $0x0  }
0x85: {  	[sflag:s8] =	ssyncadd.s32 $0xFFFFF800  }
0x86: {  	_ =	swait.ge [sflag:s8], $0x800  }
0x87: {  	[sflag:s8] =	ssyncset.done $0x0  }
0x88: {  	[sflag:s8] =	ssyncadd.s32 $0xFFFFF800  }
0x89: {  	_ =	swait.ge [sflag:s8], $0x800  }
0x8a: {  	[sflag:s8] =	ssyncset.done $0x0  }
0x8b: {  	[sflag:s8] =	ssyncadd.s32 $0xFFFFF800  }
0x8c: {  	_ =	swait.ge [sflag:s8], $0x800  }
0x8d: {  	[sflag:s8] =	ssyncset.done $0x0  }
0x8e: {  	[sflag:s8] =	ssyncadd.s32 $0xFFFFF800  }
0x8f: {  	_ =	swait.ge [sflag:s8], $0x800  }
0x90: {  	[sflag:s8] =	ssyncset.done $0x0  }
0x91: {  	[sflag:s8] =	ssyncadd.s32 $0xFFFFF800  }
0x92: {  	_ =	swait.ge [sflag:s8], $0x800  }
0x93: {  	[sflag:s8] =	ssyncset.done $0x0  }
0x94: {  	[sflag:s8] =	ssyncadd.s32 $0xFFFFF800  }
0x95: {  	_ =	swait.ge [sflag:s8], $0x800  }
0x96: {  	[sflag:s8] =	ssyncset.done $0x0  }
0x97: {  	[sflag:s8] =	ssyncadd.s32 $0xFFFFF800  }
0x98: {  	_ =	swait.ge [sflag:s8], $0x800  }
0x99: {  	[sflag:s8] =	ssyncset.done $0x0  }
0x9a: {  	[sflag:s8] =	ssyncadd.s32 $0xFFFFF800  }
0x9b: {  	_ =	swait.ge [sflag:s8], $0x800  }
0x9c: {  	[sflag:s8] =	ssyncset.done $0x0  }
0x9d: {  	[sflag:s8] =	ssyncadd.s32 $0xFFFFF800  }
0x9e: {  	_ =	swait.ge [sflag:s8], $0x800  }
0x9f: {  	[sflag:s8] =	ssyncset.done $0x0  }
0xa0: {  	[sflag:s8] =	ssyncadd.s32 $0xFFFFF800  }
0xa1: {  	_ =	swait.ge [sflag:s8], $0x800  }
0xa2: {  	[sflag:s8] =	ssyncset.done $0x0  }
0xa3: {  	s1 =	rddreg [dreg:$0x4];
	[sflag:s8] =	ssyncadd.s32 $0xFFFFF800  }
0xa4: {  	[hbm4b:s1+s2] =	stream.linear.scatter [tilespmem:s6], [sflag:$0x2], $0x1000, $0x38;
	[tilespmem:$0x6600] =	vst v63  }
0xa5: {  	p1 =	sne.s32 s0, $0x1;
	_ =	swait.ge [sflag:s3], $0x1000  }
.Ltmp2:
0xa6: {  	[sflag:s3] =	ssyncset.done $0x0;
	(pc) =	sbr.rel @p1 .LBB2_2-.Ltmp2, $4  }
0xa7: {  	[sflag:s3] =	ssyncadd.s32 $0xFFFFF000  }
0xa8: {  	[hbm4b:s4+s2] =	stream.linear.scatter [tilespmem:s5], [sflag:$0x2], $0x5000, $0x38;
	[tilespmem:$0x6600] =	vst v63  }
0xa9: {  	_ =	swait.ge [sflag:s3], $0x5000  }
0xaa: {  	s0 =	sadd.s32 $0xFFFFFFFF, s0;
	s1 =	rddreg [dreg:$0x2];
	[sflag:s3] =	ssyncset.done $0x0  }
.LBB2_3:
0xab: {  	[sflag:s3] =	ssyncadd.s32 @p0 $0xFFFFB000  }
0xac: {  	[tilespmem:s2], [sflag:$0x2] =	stream.linear.gather [hbm4b:s1+s2], $0x100, $0x38;
	[tilespmem:$0x6600] =	vst v63  }
0xad: {  	_ =	swait.ge [sflag:s3], $0x100  }
0xae: {  	[sflag:s3] =	ssyncset.done $0x0  }
0xaf: {  	s0 =	rddreg [dreg:$0x3];
	[sflag:s3] =	ssyncadd.s32 $0xFFFFFF00  }
0xb0: {  	[tilespmem:s11], [sflag:$0x2] =	stream.linear.gather [hbm4b:s0+s2], $0x500, $0x38;
	[tilespmem:$0x6600] =	vst v63  }
0xb1: {  	_ =	swait.ge [sflag:s3], $0x500  }
0xb2: {  	[sflag:s3] =	ssyncset.done $0x0  }
0xb3: {  	[sflag:s3] =	ssyncadd.s32 $0xFFFFFB00  }
0xb4: {  	[tilespmem:s6], [sflag:$0x1] =	stream.indirect.gather [hbm4b:s9+s10], $0x10, s2, s10, $0xb8;
	[tilespmem:$0x6600] =	vst v63  }
0xb5: {  	_ = 	snop  }
0xb6: {  	[tilespmem:s12], [sflag:$0x1] =	stream.indirect.gather [hbm4b:s9+s10], $0x10, s10, s10, $0xb8;
	[tilespmem:$0x6600] =	vst v63  }
0xb7: {  	_ = 	snop  }
0xb8: {  	[tilespmem:s5], [sflag:$0x1] =	stream.indirect.gather [hbm4b:s7+s10], $0x10, s11, s10, $0xb8;
	[tilespmem:$0x6600] =	vst v63  }
0xb9: {  	_ = 	snop  }
0xba: {  	[tilespmem:s14], [sflag:$0x1] =	stream.indirect.gather [hbm4b:s7+s10], $0x10, s13, s10, $0xb8;
	[tilespmem:$0x6600] =	vst v63  }
0xbb: {  	_ = 	snop  }
0xbc: {  	[tilespmem:s16], [sflag:$0x1] =	stream.indirect.gather [hbm4b:s7+s10], $0x10, s15, s10, $0xb8;
	[tilespmem:$0x6600] =	vst v63  }
0xbd: {  	_ = 	snop  }
0xbe: {  	[tilespmem:s18], [sflag:$0x1] =	stream.indirect.gather [hbm4b:s7+s10], $0x10, s17, s10, $0xb8;
	[tilespmem:$0x6600] =	vst v63  }
0xbf: {  	_ = 	snop  }
0xc0: {  	[tilespmem:s20], [sflag:$0x1] =	stream.indirect.gather [hbm4b:s7+s10], $0x10, s19, s10, $0xb8;
	[tilespmem:$0x6600] =	vst v63  }
0xc1: {  	_ = 	snop  }
0xc2: {  	[tilespmem:s22], [sflag:$0x1] =	stream.indirect.gather [hbm4b:s7+s10], $0x10, s21, s10, $0xb8;
	[tilespmem:$0x6600] =	vst v63  }
0xc3: {  	_ = 	snop  }
0xc4: {  	[tilespmem:s24], [sflag:$0x1] =	stream.indirect.gather [hbm4b:s7+s10], $0x10, s23, s10, $0xb8;
	[tilespmem:$0x6600] =	vst v63  }
0xc5: {  	_ = 	snop  }
0xc6: {  	[tilespmem:s26], [sflag:$0x1] =	stream.indirect.gather [hbm4b:s7+s10], $0x10, s25, s10, $0xb8;
	[tilespmem:$0x6600] =	vst v63  }
0xc7: {  	_ = 	snop  }
0xc8: {  	[tilespmem:s29], [sflag:$0x1] =	stream.indirect.gather [hbm4b:s7+s10], $0x10, s28, s10, $0xb8;
	[tilespmem:$0x6600] =	vst v63  }
0xc9: {  	_ = 	snop  }
0xca: {  	[tilespmem:s31], [sflag:$0x1] =	stream.indirect.gather [hbm4b:s7+s10], $0x10, s30, s10, $0xb8;
	[tilespmem:$0x6600] =	vst v63  }
0xcb: {  	_ =	swait.ge [sflag:s8], $0x800  }
0xcc: {  	[sflag:s8] =	ssyncset.done $0x0  }
0xcd: {  	[sflag:s8] =	ssyncadd.s32 $0xFFFFF800  }
0xce: {  	_ =	swait.ge [sflag:s8], $0x800  }
0xcf: {  	[sflag:s8] =	ssyncset.done $0x0  }
0xd0: {  	[sflag:s8] =	ssyncadd.s32 $0xFFFFF800  }
0xd1: {  	_ =	swait.ge [sflag:s8], $0x800  }
0xd2: {  	[sflag:s8] =	ssyncset.done $0x0  }
0xd3: {  	[sflag:s8] =	ssyncadd.s32 $0xFFFFF800  }
0xd4: {  	_ =	swait.ge [sflag:s8], $0x800  }
0xd5: {  	[sflag:s8] =	ssyncset.done $0x0  }
0xd6: {  	[sflag:s8] =	ssyncadd.s32 $0xFFFFF800  }
0xd7: {  	_ =	swait.ge [sflag:s8], $0x800  }
0xd8: {  	[sflag:s8] =	ssyncset.done $0x0  }
0xd9: {  	[sflag:s8] =	ssyncadd.s32 $0xFFFFF800  }
0xda: {  	_ =	swait.ge [sflag:s8], $0x800  }
0xdb: {  	[sflag:s8] =	ssyncset.done $0x0  }
0xdc: {  	[sflag:s8] =	ssyncadd.s32 $0xFFFFF800  }
0xdd: {  	_ =	swait.ge [sflag:s8], $0x800  }
0xde: {  	[sflag:s8] =	ssyncset.done $0x0  }
0xdf: {  	[sflag:s8] =	ssyncadd.s32 $0xFFFFF800  }
0xe0: {  	_ =	swait.ge [sflag:s8], $0x800  }
0xe1: {  	[sflag:s8] =	ssyncset.done $0x0  }
0xe2: {  	[sflag:s8] =	ssyncadd.s32 $0xFFFFF800  }
0xe3: {  	_ =	swait.ge [sflag:s8], $0x800  }
0xe4: {  	[sflag:s8] =	ssyncset.done $0x0  }
0xe5: {  	[sflag:s8] =	ssyncadd.s32 $0xFFFFF800  }
0xe6: {  	_ =	swait.ge [sflag:s8], $0x800  }
0xe7: {  	[sflag:s8] =	ssyncset.done $0x0  }
0xe8: {  	[sflag:s8] =	ssyncadd.s32 $0xFFFFF800  }
0xe9: {  	_ =	swait.ge [sflag:s8], $0x800  }
0xea: {  	[sflag:s8] =	ssyncset.done $0x0  }
0xeb: {  	[sflag:s8] =	ssyncadd.s32 $0xFFFFF800  }
0xec: {  	_ =	swait.ge [sflag:s8], $0x800  }
0xed: {  	[sflag:s8] =	ssyncset.done $0x0  }
0xee: {  	s30 =	rddreg [dreg:$0x4];
	[sflag:s8] =	ssyncadd.s32 $0xFFFFF800  }
0xef: {  	[hbm4b:s30+s2] =	stream.linear.scatter [tilespmem:s6], [sflag:$0x2], $0x1000, $0x38;
	[tilespmem:$0x6600] =	vst v63  }
0xf0: {  	_ =	swait.ge [sflag:s3], $0x1000  }
0xf1: {  	[sflag:s3] =	ssyncset.done $0x0  }
0xf2: {  	[sflag:s3] =	ssyncadd.s32 $0xFFFFF000  }
0xf3: {  	[hbm4b:s4+s2] =	stream.linear.scatter [tilespmem:s5], [sflag:$0x2], $0x5000, $0x38;
	[tilespmem:$0x6600] =	vst v63  }
0xf4: {  	_ =	swait.ge [sflag:s3], $0x5000  }
0xf5: {  	[sflag:s3] =	ssyncset.done $0x0  }
0xf6: {  	[sflag:s3] =	ssyncadd.s32 $0xFFFFB000  }
0xf7: {  	_ =	sfence.sel $0x180000  }
0xf8: {  	[bflag:$0x0] =	sbarrier.arrive $0xFFFF  }
0xf9: {  	_ =	strace $0x90000047  }
0xfa: {  	s31 =	stileid.u32;
	[bflag:$0x2] =	sbarrier.arrive $0xFFFF  }
0xfb: {  	p0 =	sne.s32 s31, $0x0;
	s0 =	rddreg [dreg:$0x1]  }
0xfc: {  	s0 =	sadd.s32 @!p0 $0x100000, s0  }
0xfd: {  	[sflag:s0] =	ssyncadd.tile.s32 @!p0 $0x1;
	_ =	shalt  }
.Lfunc_end2:
_tile_overlayer_lowered:
.L_overlay_start_2:
0xfe: {  	(tag) =	ssettag $0x2  }
0xff: {  	s0 =	rddreg [dreg:$0x0];
	s2 =	stileid.u32  }
0x100: {  	s1 =	rddreg [dreg:$0x1];
	p0 =	sne.s32 s2, $0x0  }
0x101: {  	s3 =	rddreg [dreg:$0x2];
	[bflag:$0x3] =	sbarrier.arrive $0xFFFF;
	s2 =	simm.s32 @!p0 $0x1C02  }
0x102: {  	[timem:s3], [sflag:s2] =	dma.local @!p0 [hbm:s0], s1  }
0x103: {  	s0 =	simm.s32 @!p0 $0x2  }
0x104: {  	_ =	swait.ge @!p0 [sflag:s0], s1  }
0x105: {  	s1 =	ssub.s32 @!p0 $0x0, s1;
	[sflag:s0] =	ssyncset.done @!p0 $0x0  }
0x106: {  	[sflag:s0] =	ssyncadd.s32 @!p0 s1  }
0x107: {  	[bflag:$0x3] =	sbarrier.arrive $0xFFFF  }
0x108: {  	_ =	shalt  }

</sc_bundles>
